<compile_context>
chip_gen: v7x
topology: tpu7x:2x2x1
jax: 0.10.2.dev20260603
libtpu: 0.0.44.dev20260713+nightly
codegen_flags: <defaults>
</compile_context>

<pallas_src>
import functools

import jax
import jax.numpy as jnp
from jax import lax
from jax.experimental import pallas as pl
from jax.experimental.pallas import tpu as pltpu
from jax.experimental.pallas import tpu_sc as plsc

B = 64
T = 577
N = T - 1
K = N // 2
D = 768
R = B * (K + 1)
CHUNK = 64
NCHUNKS = R // CHUNK
NW = 32
MAXC = -(-NCHUNKS // NW)


def _gather_indices() -> jnp.ndarray:
    rand = jax.random.normal(jax.random.key(1), (B, N), dtype=jnp.float32)
    _, keep = lax.top_k(rand, K)
    rows_b = jnp.arange(B, dtype=jnp.int32)[:, None] * T
    kept = rows_b + 1 + keep.astype(jnp.int32)
    cls = rows_b
    g = jnp.concatenate([cls, kept], axis=1)
    chunks = g.reshape(NCHUNKS, CHUNK)
    pad = jnp.zeros((NW * MAXC - NCHUNKS, CHUNK), jnp.int32)
    chunks = jnp.concatenate([chunks, pad], axis=0)
    return chunks.reshape(MAXC, NW, CHUNK).transpose(1, 0, 2)


@functools.cache
def _sc_gather():
    @functools.partial(
        pl.kernel,
        out_type=jax.ShapeDtypeStruct((R, D), jnp.float32),
        mesh=plsc.VectorSubcoreMesh(core_axis_name="c", subcore_axis_name="s"),
        compiler_params=pltpu.CompilerParams(use_tc_tiling_on_sc=True),
        scratch_types=[
            pltpu.VMEM((MAXC, CHUNK), jnp.int32),
            pltpu.VMEM((CHUNK, D), jnp.float32),
            pltpu.VMEM((CHUNK, D), jnp.float32),
            pltpu.SemaphoreType.DMA,
            pltpu.SemaphoreType.DMA,
            pltpu.SemaphoreType.DMA,
            pltpu.SemaphoreType.DMA,
        ],
    )
    def body(x_hbm, idx_hbm, out_hbm, idx_v, buf0, buf1, sg0, sg1, ss0, ss1):
        wid = lax.axis_index("s") * 2 + lax.axis_index("c")
        bufs = (buf0, buf1)
        sgs = (sg0, sg1)
        sss = (ss0, ss1)

        pltpu.sync_copy(idx_hbm.at[wid], idx_v)

        def chunk_id(i):
            return wid + i * NW

        for i in range(2):
            @pl.when(chunk_id(i) < NCHUNKS)
            def _(i=i):
                pltpu.async_copy(x_hbm.at[idx_v.at[i]], bufs[i], sgs[i])

        for i in range(MAXC):
            b = i % 2
            t = chunk_id(i)

            @pl.when(t < NCHUNKS)
            def _(i=i, b=b, t=t):
                pltpu.make_async_copy(
                    x_hbm.at[idx_v.at[i]], bufs[b], sgs[b]).wait()
                pltpu.async_copy(
                    bufs[b], out_hbm.at[pl.ds(t * CHUNK, CHUNK)], sss[b])
                pltpu.make_async_copy(
                    bufs[b], out_hbm.at[pl.ds(t * CHUNK, CHUNK)], sss[b]).wait()

            if i + 2 < MAXC:
                @pl.when(chunk_id(i + 2) < NCHUNKS)
                def _(i=i, b=b):
                    pltpu.async_copy(
                        x_hbm.at[idx_v.at[i + 2]], bufs[b], sgs[b])

    return body


def kernel(x: jnp.ndarray) -> jnp.ndarray:
    xflat = x.reshape(B * T, D)
    out = _sc_gather()(xflat, _gather_indices())
    return out.reshape(B, K + 1, D)

# --- scband reference (transcript-rebuilt; emitter-appended) ---
"""Pipeline reference for scband-patch-dropout-438086664887 (READ-ONLY COPY).

The authoritative reference and input builder live on the scoring server;
editing this copy changes nothing except your own understanding.
"""

import jax, jax.numpy as jnp
import numpy as np

PROB = 0.5
EXCLUDE_FIRST_TOKEN = True

def setup_inputs(seed: int = 0) -> dict:
    key = jax.random.key(seed)
    x = jax.random.normal(key, (64, 577, 768), dtype=jnp.float32)
    return {"x": x}

def reference(x: jnp.ndarray) -> jnp.ndarray:
    # Faithful translation of PatchDropout.forward in training mode.
    if EXCLUDE_FIRST_TOKEN:
        cls_tokens = x[:, :1]
        rest = x[:, 1:]
    else:
        cls_tokens = x[:, :1]
        rest = x
    batch = rest.shape[0]
    num_tokens = rest.shape[1]
    keep_prob = 1.0 - PROB
    num_keep_patches = max(1, int(num_tokens * keep_prob))
    # rand = torch.randn(batch, num_tokens); topk indices
    rand = jax.random.normal(jax.random.key(1), (batch, num_tokens), dtype=jnp.float32)
    _, patch_keep_indices = jax.lax.top_k(rand, num_keep_patches)  # [B, K]
    # x = x[batch_indices, patch_keep_indices] -> per-batch gather along token dim
    kept = jnp.take_along_axis(rest, patch_keep_indices[:, :, None], axis=1)
    if EXCLUDE_FIRST_TOKEN:
        kept = jnp.concatenate((cls_tokens, kept), axis=1)
    return kept

if __name__ == "__main__":
    import jax
    _d = setup_inputs()
    print(jax.jit(kernel)(*tuple(_d.values())))

</pallas_src>

<mosaic_0001>
#map = affine_map<(d0, d1) -> (0, 0)>
#map1 = affine_map<(d0, d1) -> (0, 0, 0)>
module attributes {stable_mosaic.version = 14 : i64} {
  func.func @body(%arg0: i32, %arg1: i32, %arg2: memref<36928x768xf32, #tpu.memory_space<hbm>>, %arg3: memref<32x10x64xi32, #tpu.memory_space<hbm>>, %arg4: memref<18496x768xf32, #tpu.memory_space<hbm>>, %arg5: memref<10x64xi32, #tpu.memory_space<vmem>>, %arg6: memref<64x768xf32, #tpu.memory_space<vmem>>, %arg7: memref<64x768xf32, #tpu.memory_space<vmem>>, %arg8: memref<!tpu.dma_semaphore, #tpu.memory_space<semaphore_mem>>, %arg9: memref<!tpu.dma_semaphore, #tpu.memory_space<semaphore_mem>>, %arg10: memref<!tpu.dma_semaphore, #tpu.memory_space<semaphore_mem>>, %arg11: memref<!tpu.dma_semaphore, #tpu.memory_space<semaphore_mem>>) attributes {dimension_semantics = [#tpu.dimension_semantics<core_parallel>, #tpu.dimension_semantics<subcore_parallel>], iteration_bounds = array<i64: 2, 16>, scalar_prefetch = 0 : i64, scratch_operands = 7 : i64, tpu.core_type = #tpu.core_type<sc_vector_subcore>, window_params = [{transform_indices = #map}, {transform_indices = #map1}, {transform_indices = #map}]} {
    %mul3A = arith.constant 2 : i32
    %mul3A_0 = arith.muli %arg1, %mul3A : i32
    %add3A = arith.addi %mul3A_0, %arg0 : i32
    "tpu.region"() ({
      %run_scoped3A = tpu.sem_alloc : memref<!tpu.dma_semaphore, #tpu.memory_space<semaphore_mem>>
      %dma_start3A = arith.constant 0 : i32
      %dma_start3A_138 = arith.constant 0 : i32
      %dma_start3A_139 = tpu.memref_slice %arg3[%add3A, %dma_start3A, %dma_start3A_138] : memref<32x10x64xi32, #tpu.memory_space<hbm>> -> memref<1x10x64xi32, #tpu.memory_space<hbm>>
      %dma_start3A_140 = tpu.memref_squeeze %dma_start3A_139 : memref<1x10x64xi32, #tpu.memory_space<hbm>> -> memref<10x64xi32, #tpu.memory_space<hbm>>
      %dma_start3A_141 = arith.constant 0 : i32
      %dma_start3A_142 = arith.constant 0 : i32
      %dma_start3A_143 = tpu.memref_slice %arg3[%add3A, %dma_start3A_141, %dma_start3A_142] : memref<32x10x64xi32, #tpu.memory_space<hbm>> -> memref<1x10x64xi32, #tpu.memory_space<hbm>>
      %dma_start3A_144 = tpu.memref_squeeze %dma_start3A_143 : memref<1x10x64xi32, #tpu.memory_space<hbm>> -> memref<10x64xi32, #tpu.memory_space<hbm>>
      tpu.enqueue_dma source(%dma_start3A_144 : memref<10x64xi32, #tpu.memory_space<hbm>>) target(%arg5 : memref<10x64xi32, #tpu.memory_space<vmem>>) target_semaphore(%run_scoped3A : memref<!tpu.dma_semaphore, #tpu.memory_space<semaphore_mem>>)
      %dma_wait3A = arith.constant 0 : i32
      %dma_wait3A_145 = arith.constant 0 : i32
      %dma_wait3A_146 = tpu.memref_slice %arg3[%add3A, %dma_wait3A, %dma_wait3A_145] : memref<32x10x64xi32, #tpu.memory_space<hbm>> -> memref<1x10x64xi32, #tpu.memory_space<hbm>>
      %dma_wait3A_147 = tpu.memref_squeeze %dma_wait3A_146 : memref<1x10x64xi32, #tpu.memory_space<hbm>> -> memref<10x64xi32, #tpu.memory_space<hbm>>
      %dma_wait3A_148 = arith.constant 0 : i32
      %dma_wait3A_149 = arith.constant 0 : i32
      %dma_wait3A_150 = tpu.memref_slice %arg3[%add3A, %dma_wait3A_148, %dma_wait3A_149] : memref<32x10x64xi32, #tpu.memory_space<hbm>> -> memref<1x10x64xi32, #tpu.memory_space<hbm>>
      %dma_wait3A_151 = tpu.memref_squeeze %dma_wait3A_150 : memref<1x10x64xi32, #tpu.memory_space<hbm>> -> memref<10x64xi32, #tpu.memory_space<hbm>>
      tpu.wait_dma2 semaphore(%run_scoped3A : memref<!tpu.dma_semaphore, #tpu.memory_space<semaphore_mem>>) src(%dma_wait3A_151 : memref<10x64xi32, #tpu.memory_space<hbm>>) dst(%arg5 : memref<10x64xi32, #tpu.memory_space<vmem>>)
      tpu.yield
    }) : () -> ()
    %add3A_1 = arith.constant 0 : i32
    %add3A_2 = arith.addi %add3A, %add3A_1 : i32
    %lt3A = arith.constant 289 : i32
    %lt3A_3 = arith.cmpi slt, %add3A_2, %lt3A : i32
    %convert_element_type3A = arith.extui %lt3A_3 : i1 to i32
    %cond3A = arith.constant 0 : i32
    %cond3A_4 = arith.cmpi ne, %convert_element_type3A, %cond3A : i32
    scf.if %cond3A_4 {
      %dma_start3A = arith.constant 0 : i32
      %dma_start3A_138 = arith.constant 0 : i32
      %dma_start3A_139 = tpu.memref_slice %arg5[%dma_start3A, %dma_start3A_138] : memref<10x64xi32, #tpu.memory_space<vmem>> -> memref<1x64xi32, #tpu.memory_space<vmem>>
      %dma_start3A_140 = tpu.memref_squeeze %dma_start3A_139 : memref<1x64xi32, #tpu.memory_space<vmem>> -> memref<64xi32, #tpu.memory_space<vmem>>
      %dma_start3A_141 = arith.constant 0 : i32
      %dma_start3A_142 = arith.constant 0 : i32
      %dma_start3A_143 = tpu.memref_slice %arg2[%dma_start3A_141, %dma_start3A_142] : memref<36928x768xf32, #tpu.memory_space<hbm>> -> memref<36928x768xf32, #tpu.memory_space<hbm>>
      tpu.enqueue_indirect_dma source(%dma_start3A_143 : memref<36928x768xf32, #tpu.memory_space<hbm>>) target(%arg6 : memref<64x768xf32, #tpu.memory_space<vmem>>) offsets(%dma_start3A_140 : memref<64xi32, #tpu.memory_space<vmem>>) semaphore(%arg8 : memref<!tpu.dma_semaphore, #tpu.memory_space<semaphore_mem>>)
    } else {
    }
    %add3A_5 = arith.constant 32 : i32
    %add3A_6 = arith.addi %add3A, %add3A_5 : i32
    %lt3A_7 = arith.constant 289 : i32
    %lt3A_8 = arith.cmpi slt, %add3A_6, %lt3A_7 : i32
    %convert_element_type3A_9 = arith.extui %lt3A_8 : i1 to i32
    %cond3A_10 = arith.constant 0 : i32
    %cond3A_11 = arith.cmpi ne, %convert_element_type3A_9, %cond3A_10 : i32
    scf.if %cond3A_11 {
      %dma_start3A = arith.constant 1 : i32
      %dma_start3A_138 = arith.constant 0 : i32
      %dma_start3A_139 = tpu.memref_slice %arg5[%dma_start3A, %dma_start3A_138] : memref<10x64xi32, #tpu.memory_space<vmem>> -> memref<1x64xi32, #tpu.memory_space<vmem>>
      %dma_start3A_140 = tpu.memref_squeeze %dma_start3A_139 : memref<1x64xi32, #tpu.memory_space<vmem>> -> memref<64xi32, #tpu.memory_space<vmem>>
      %dma_start3A_141 = arith.constant 0 : i32
      %dma_start3A_142 = arith.constant 0 : i32
      %dma_start3A_143 = tpu.memref_slice %arg2[%dma_start3A_141, %dma_start3A_142] : memref<36928x768xf32, #tpu.memory_space<hbm>> -> memref<36928x768xf32, #tpu.memory_space<hbm>>
      tpu.enqueue_indirect_dma source(%dma_start3A_143 : memref<36928x768xf32, #tpu.memory_space<hbm>>) target(%arg7 : memref<64x768xf32, #tpu.memory_space<vmem>>) offsets(%dma_start3A_140 : memref<64xi32, #tpu.memory_space<vmem>>) semaphore(%arg9 : memref<!tpu.dma_semaphore, #tpu.memory_space<semaphore_mem>>)
    } else {
    }
    %add3A_12 = arith.constant 0 : i32
    %add3A_13 = arith.addi %add3A, %add3A_12 : i32
    %lt3A_14 = arith.constant 289 : i32
    %lt3A_15 = arith.cmpi slt, %add3A_13, %lt3A_14 : i32
    %convert_element_type3A_16 = arith.extui %lt3A_15 : i1 to i32
    %cond3A_17 = arith.constant 0 : i32
    %cond3A_18 = arith.cmpi ne, %convert_element_type3A_16, %cond3A_17 : i32
    scf.if %cond3A_18 {
      %dma_wait3A = arith.constant 0 : i32
      %dma_wait3A_138 = arith.constant 0 : i32
      %dma_wait3A_139 = tpu.memref_slice %arg5[%dma_wait3A, %dma_wait3A_138] : memref<10x64xi32, #tpu.memory_space<vmem>> -> memref<1x64xi32, #tpu.memory_space<vmem>>
      %dma_wait3A_140 = tpu.memref_squeeze %dma_wait3A_139 : memref<1x64xi32, #tpu.memory_space<vmem>> -> memref<64xi32, #tpu.memory_space<vmem>>
      %dma_wait3A_141 = arith.constant 0 : i32
      %dma_wait3A_142 = arith.constant 0 : i32
      %dma_wait3A_143 = tpu.memref_slice %arg2[%dma_wait3A_141, %dma_wait3A_142] : memref<36928x768xf32, #tpu.memory_space<hbm>> -> memref<36928x768xf32, #tpu.memory_space<hbm>>
      tpu.wait_indirect_dma semaphore(%arg8 : memref<!tpu.dma_semaphore, #tpu.memory_space<semaphore_mem>>) src(%dma_wait3A_143 : memref<36928x768xf32, #tpu.memory_space<hbm>>) dst(%arg6 : memref<64x768xf32, #tpu.memory_space<vmem>>)
      %mul3A_144 = arith.constant 64 : i32
      %mul3A_145 = arith.muli %add3A_13, %mul3A_144 : i32
      %dma_start3A = arith.constant 0 : i32
      %dma_start3A_146 = tpu.memref_slice %arg4[%mul3A_145, %dma_start3A] : memref<18496x768xf32, #tpu.memory_space<hbm>> -> memref<64x768xf32, #tpu.memory_space<hbm>>
      %dma_start3A_147 = arith.constant 0 : i32
      %dma_start3A_148 = tpu.memref_slice %arg4[%mul3A_145, %dma_start3A_147] : memref<18496x768xf32, #tpu.memory_space<hbm>> -> memref<64x768xf32, #tpu.memory_space<hbm>>
      tpu.enqueue_dma source(%arg6 : memref<64x768xf32, #tpu.memory_space<vmem>>) target(%dma_start3A_148 : memref<64x768xf32, #tpu.memory_space<hbm>>) target_semaphore(%arg10 : memref<!tpu.dma_semaphore, #tpu.memory_space<semaphore_mem>>)
      %mul3A_149 = arith.constant 64 : i32
      %mul3A_150 = arith.muli %add3A_13, %mul3A_149 : i32
      %dma_wait3A_151 = arith.constant 0 : i32
      %dma_wait3A_152 = tpu.memref_slice %arg4[%mul3A_150, %dma_wait3A_151] : memref<18496x768xf32, #tpu.memory_space<hbm>> -> memref<64x768xf32, #tpu.memory_space<hbm>>
      %dma_wait3A_153 = arith.constant 0 : i32
      %dma_wait3A_154 = tpu.memref_slice %arg4[%mul3A_150, %dma_wait3A_153] : memref<18496x768xf32, #tpu.memory_space<hbm>> -> memref<64x768xf32, #tpu.memory_space<hbm>>
      tpu.wait_dma2 semaphore(%arg10 : memref<!tpu.dma_semaphore, #tpu.memory_space<semaphore_mem>>) src(%arg6 : memref<64x768xf32, #tpu.memory_space<vmem>>) dst(%dma_wait3A_154 : memref<64x768xf32, #tpu.memory_space<hbm>>)
    } else {
    }
    %add3A_19 = arith.constant 64 : i32
    %add3A_20 = arith.addi %add3A, %add3A_19 : i32
    %lt3A_21 = arith.constant 289 : i32
    %lt3A_22 = arith.cmpi slt, %add3A_20, %lt3A_21 : i32
    %convert_element_type3A_23 = arith.extui %lt3A_22 : i1 to i32
    %cond3A_24 = arith.constant 0 : i32
    %cond3A_25 = arith.cmpi ne, %convert_element_type3A_23, %cond3A_24 : i32
    scf.if %cond3A_25 {
      %dma_start3A = arith.constant 2 : i32
      %dma_start3A_138 = arith.constant 0 : i32
      %dma_start3A_139 = tpu.memref_slice %arg5[%dma_start3A, %dma_start3A_138] : memref<10x64xi32, #tpu.memory_space<vmem>> -> memref<1x64xi32, #tpu.memory_space<vmem>>
      %dma_start3A_140 = tpu.memref_squeeze %dma_start3A_139 : memref<1x64xi32, #tpu.memory_space<vmem>> -> memref<64xi32, #tpu.memory_space<vmem>>
      %dma_start3A_141 = arith.constant 0 : i32
      %dma_start3A_142 = arith.constant 0 : i32
      %dma_start3A_143 = tpu.memref_slice %arg2[%dma_start3A_141, %dma_start3A_142] : memref<36928x768xf32, #tpu.memory_space<hbm>> -> memref<36928x768xf32, #tpu.memory_space<hbm>>
      tpu.enqueue_indirect_dma source(%dma_start3A_143 : memref<36928x768xf32, #tpu.memory_space<hbm>>) target(%arg6 : memref<64x768xf32, #tpu.memory_space<vmem>>) offsets(%dma_start3A_140 : memref<64xi32, #tpu.memory_space<vmem>>) semaphore(%arg8 : memref<!tpu.dma_semaphore, #tpu.memory_space<semaphore_mem>>)
    } else {
    }
    %add3A_26 = arith.constant 32 : i32
    %add3A_27 = arith.addi %add3A, %add3A_26 : i32
    %lt3A_28 = arith.constant 289 : i32
    %lt3A_29 = arith.cmpi slt, %add3A_27, %lt3A_28 : i32
    %convert_element_type3A_30 = arith.extui %lt3A_29 : i1 to i32
    %cond3A_31 = arith.constant 0 : i32
    %cond3A_32 = arith.cmpi ne, %convert_element_type3A_30, %cond3A_31 : i32
    scf.if %cond3A_32 {
      %dma_wait3A = arith.constant 1 : i32
      %dma_wait3A_138 = arith.constant 0 : i32
      %dma_wait3A_139 = tpu.memref_slice %arg5[%dma_wait3A, %dma_wait3A_138] : memref<10x64xi32, #tpu.memory_space<vmem>> -> memref<1x64xi32, #tpu.memory_space<vmem>>
      %dma_wait3A_140 = tpu.memref_squeeze %dma_wait3A_139 : memref<1x64xi32, #tpu.memory_space<vmem>> -> memref<64xi32, #tpu.memory_space<vmem>>
      %dma_wait3A_141 = arith.constant 0 : i32
      %dma_wait3A_142 = arith.constant 0 : i32
      %dma_wait3A_143 = tpu.memref_slice %arg2[%dma_wait3A_141, %dma_wait3A_142] : memref<36928x768xf32, #tpu.memory_space<hbm>> -> memref<36928x768xf32, #tpu.memory_space<hbm>>
      tpu.wait_indirect_dma semaphore(%arg9 : memref<!tpu.dma_semaphore, #tpu.memory_space<semaphore_mem>>) src(%dma_wait3A_143 : memref<36928x768xf32, #tpu.memory_space<hbm>>) dst(%arg7 : memref<64x768xf32, #tpu.memory_space<vmem>>)
      %mul3A_144 = arith.constant 64 : i32
      %mul3A_145 = arith.muli %add3A_27, %mul3A_144 : i32
      %dma_start3A = arith.constant 0 : i32
      %dma_start3A_146 = tpu.memref_slice %arg4[%mul3A_145, %dma_start3A] : memref<18496x768xf32, #tpu.memory_space<hbm>> -> memref<64x768xf32, #tpu.memory_space<hbm>>
      %dma_start3A_147 = arith.constant 0 : i32
      %dma_start3A_148 = tpu.memref_slice %arg4[%mul3A_145, %dma_start3A_147] : memref<18496x768xf32, #tpu.memory_space<hbm>> -> memref<64x768xf32, #tpu.memory_space<hbm>>
      tpu.enqueue_dma source(%arg7 : memref<64x768xf32, #tpu.memory_space<vmem>>) target(%dma_start3A_148 : memref<64x768xf32, #tpu.memory_space<hbm>>) target_semaphore(%arg11 : memref<!tpu.dma_semaphore, #tpu.memory_space<semaphore_mem>>)
      %mul3A_149 = arith.constant 64 : i32
      %mul3A_150 = arith.muli %add3A_27, %mul3A_149 : i32
      %dma_wait3A_151 = arith.constant 0 : i32
      %dma_wait3A_152 = tpu.memref_slice %arg4[%mul3A_150, %dma_wait3A_151] : memref<18496x768xf32, #tpu.memory_space<hbm>> -> memref<64x768xf32, #tpu.memory_space<hbm>>
      %dma_wait3A_153 = arith.constant 0 : i32
      %dma_wait3A_154 = tpu.memref_slice %arg4[%mul3A_150, %dma_wait3A_153] : memref<18496x768xf32, #tpu.memory_space<hbm>> -> memref<64x768xf32, #tpu.memory_space<hbm>>
      tpu.wait_dma2 semaphore(%arg11 : memref<!tpu.dma_semaphore, #tpu.memory_space<semaphore_mem>>) src(%arg7 : memref<64x768xf32, #tpu.memory_space<vmem>>) dst(%dma_wait3A_154 : memref<64x768xf32, #tpu.memory_space<hbm>>)
    } else {
    }
    %add3A_33 = arith.constant 96 : i32
    %add3A_34 = arith.addi %add3A, %add3A_33 : i32
    %lt3A_35 = arith.constant 289 : i32
    %lt3A_36 = arith.cmpi slt, %add3A_34, %lt3A_35 : i32
    %convert_element_type3A_37 = arith.extui %lt3A_36 : i1 to i32
    %cond3A_38 = arith.constant 0 : i32
    %cond3A_39 = arith.cmpi ne, %convert_element_type3A_37, %cond3A_38 : i32
    scf.if %cond3A_39 {
      %dma_start3A = arith.constant 3 : i32
      %dma_start3A_138 = arith.constant 0 : i32
      %dma_start3A_139 = tpu.memref_slice %arg5[%dma_start3A, %dma_start3A_138] : memref<10x64xi32, #tpu.memory_space<vmem>> -> memref<1x64xi32, #tpu.memory_space<vmem>>
      %dma_start3A_140 = tpu.memref_squeeze %dma_start3A_139 : memref<1x64xi32, #tpu.memory_space<vmem>> -> memref<64xi32, #tpu.memory_space<vmem>>
      %dma_start3A_141 = arith.constant 0 : i32
      %dma_start3A_142 = arith.constant 0 : i32
      %dma_start3A_143 = tpu.memref_slice %arg2[%dma_start3A_141, %dma_start3A_142] : memref<36928x768xf32, #tpu.memory_space<hbm>> -> memref<36928x768xf32, #tpu.memory_space<hbm>>
      tpu.enqueue_indirect_dma source(%dma_start3A_143 : memref<36928x768xf32, #tpu.memory_space<hbm>>) target(%arg7 : memref<64x768xf32, #tpu.memory_space<vmem>>) offsets(%dma_start3A_140 : memref<64xi32, #tpu.memory_space<vmem>>) semaphore(%arg9 : memref<!tpu.dma_semaphore, #tpu.memory_space<semaphore_mem>>)
    } else {
    }
    %add3A_40 = arith.constant 64 : i32
    %add3A_41 = arith.addi %add3A, %add3A_40 : i32
    %lt3A_42 = arith.constant 289 : i32
    %lt3A_43 = arith.cmpi slt, %add3A_41, %lt3A_42 : i32
    %convert_element_type3A_44 = arith.extui %lt3A_43 : i1 to i32
    %cond3A_45 = arith.constant 0 : i32
    %cond3A_46 = arith.cmpi ne, %convert_element_type3A_44, %cond3A_45 : i32
    scf.if %cond3A_46 {
      %dma_wait3A = arith.constant 2 : i32
      %dma_wait3A_138 = arith.constant 0 : i32
      %dma_wait3A_139 = tpu.memref_slice %arg5[%dma_wait3A, %dma_wait3A_138] : memref<10x64xi32, #tpu.memory_space<vmem>> -> memref<1x64xi32, #tpu.memory_space<vmem>>
      %dma_wait3A_140 = tpu.memref_squeeze %dma_wait3A_139 : memref<1x64xi32, #tpu.memory_space<vmem>> -> memref<64xi32, #tpu.memory_space<vmem>>
      %dma_wait3A_141 = arith.constant 0 : i32
      %dma_wait3A_142 = arith.constant 0 : i32
      %dma_wait3A_143 = tpu.memref_slice %arg2[%dma_wait3A_141, %dma_wait3A_142] : memref<36928x768xf32, #tpu.memory_space<hbm>> -> memref<36928x768xf32, #tpu.memory_space<hbm>>
      tpu.wait_indirect_dma semaphore(%arg8 : memref<!tpu.dma_semaphore, #tpu.memory_space<semaphore_mem>>) src(%dma_wait3A_143 : memref<36928x768xf32, #tpu.memory_space<hbm>>) dst(%arg6 : memref<64x768xf32, #tpu.memory_space<vmem>>)
      %mul3A_144 = arith.constant 64 : i32
      %mul3A_145 = arith.muli %add3A_41, %mul3A_144 : i32
      %dma_start3A = arith.constant 0 : i32
      %dma_start3A_146 = tpu.memref_slice %arg4[%mul3A_145, %dma_start3A] : memref<18496x768xf32, #tpu.memory_space<hbm>> -> memref<64x768xf32, #tpu.memory_space<hbm>>
      %dma_start3A_147 = arith.constant 0 : i32
      %dma_start3A_148 = tpu.memref_slice %arg4[%mul3A_145, %dma_start3A_147] : memref<18496x768xf32, #tpu.memory_space<hbm>> -> memref<64x768xf32, #tpu.memory_space<hbm>>
      tpu.enqueue_dma source(%arg6 : memref<64x768xf32, #tpu.memory_space<vmem>>) target(%dma_start3A_148 : memref<64x768xf32, #tpu.memory_space<hbm>>) target_semaphore(%arg10 : memref<!tpu.dma_semaphore, #tpu.memory_space<semaphore_mem>>)
      %mul3A_149 = arith.constant 64 : i32
      %mul3A_150 = arith.muli %add3A_41, %mul3A_149 : i32
      %dma_wait3A_151 = arith.constant 0 : i32
      %dma_wait3A_152 = tpu.memref_slice %arg4[%mul3A_150, %dma_wait3A_151] : memref<18496x768xf32, #tpu.memory_space<hbm>> -> memref<64x768xf32, #tpu.memory_space<hbm>>
      %dma_wait3A_153 = arith.constant 0 : i32
      %dma_wait3A_154 = tpu.memref_slice %arg4[%mul3A_150, %dma_wait3A_153] : memref<18496x768xf32, #tpu.memory_space<hbm>> -> memref<64x768xf32, #tpu.memory_space<hbm>>
      tpu.wait_dma2 semaphore(%arg10 : memref<!tpu.dma_semaphore, #tpu.memory_space<semaphore_mem>>) src(%arg6 : memref<64x768xf32, #tpu.memory_space<vmem>>) dst(%dma_wait3A_154 : memref<64x768xf32, #tpu.memory_space<hbm>>)
    } else {
    }
    %add3A_47 = arith.constant 128 : i32
    %add3A_48 = arith.addi %add3A, %add3A_47 : i32
    %lt3A_49 = arith.constant 289 : i32
    %lt3A_50 = arith.cmpi slt, %add3A_48, %lt3A_49 : i32
    %convert_element_type3A_51 = arith.extui %lt3A_50 : i1 to i32
    %cond3A_52 = arith.constant 0 : i32
    %cond3A_53 = arith.cmpi ne, %convert_element_type3A_51, %cond3A_52 : i32
    scf.if %cond3A_53 {
      %dma_start3A = arith.constant 4 : i32
      %dma_start3A_138 = arith.constant 0 : i32
      %dma_start3A_139 = tpu.memref_slice %arg5[%dma_start3A, %dma_start3A_138] : memref<10x64xi32, #tpu.memory_space<vmem>> -> memref<1x64xi32, #tpu.memory_space<vmem>>
      %dma_start3A_140 = tpu.memref_squeeze %dma_start3A_139 : memref<1x64xi32, #tpu.memory_space<vmem>> -> memref<64xi32, #tpu.memory_space<vmem>>
      %dma_start3A_141 = arith.constant 0 : i32
      %dma_start3A_142 = arith.constant 0 : i32
      %dma_start3A_143 = tpu.memref_slice %arg2[%dma_start3A_141, %dma_start3A_142] : memref<36928x768xf32, #tpu.memory_space<hbm>> -> memref<36928x768xf32, #tpu.memory_space<hbm>>
      tpu.enqueue_indirect_dma source(%dma_start3A_143 : memref<36928x768xf32, #tpu.memory_space<hbm>>) target(%arg6 : memref<64x768xf32, #tpu.memory_space<vmem>>) offsets(%dma_start3A_140 : memref<64xi32, #tpu.memory_space<vmem>>) semaphore(%arg8 : memref<!tpu.dma_semaphore, #tpu.memory_space<semaphore_mem>>)
    } else {
    }
    %add3A_54 = arith.constant 96 : i32
    %add3A_55 = arith.addi %add3A, %add3A_54 : i32
    %lt3A_56 = arith.constant 289 : i32
    %lt3A_57 = arith.cmpi slt, %add3A_55, %lt3A_56 : i32
    %convert_element_type3A_58 = arith.extui %lt3A_57 : i1 to i32
    %cond3A_59 = arith.constant 0 : i32
    %cond3A_60 = arith.cmpi ne, %convert_element_type3A_58, %cond3A_59 : i32
    scf.if %cond3A_60 {
      %dma_wait3A = arith.constant 3 : i32
      %dma_wait3A_138 = arith.constant 0 : i32
      %dma_wait3A_139 = tpu.memref_slice %arg5[%dma_wait3A, %dma_wait3A_138] : memref<10x64xi32, #tpu.memory_space<vmem>> -> memref<1x64xi32, #tpu.memory_space<vmem>>
      %dma_wait3A_140 = tpu.memref_squeeze %dma_wait3A_139 : memref<1x64xi32, #tpu.memory_space<vmem>> -> memref<64xi32, #tpu.memory_space<vmem>>
      %dma_wait3A_141 = arith.constant 0 : i32
      %dma_wait3A_142 = arith.constant 0 : i32
      %dma_wait3A_143 = tpu.memref_slice %arg2[%dma_wait3A_141, %dma_wait3A_142] : memref<36928x768xf32, #tpu.memory_space<hbm>> -> memref<36928x768xf32, #tpu.memory_space<hbm>>
      tpu.wait_indirect_dma semaphore(%arg9 : memref<!tpu.dma_semaphore, #tpu.memory_space<semaphore_mem>>) src(%dma_wait3A_143 : memref<36928x768xf32, #tpu.memory_space<hbm>>) dst(%arg7 : memref<64x768xf32, #tpu.memory_space<vmem>>)
      %mul3A_144 = arith.constant 64 : i32
      %mul3A_145 = arith.muli %add3A_55, %mul3A_144 : i32
      %dma_start3A = arith.constant 0 : i32
      %dma_start3A_146 = tpu.memref_slice %arg4[%mul3A_145, %dma_start3A] : memref<18496x768xf32, #tpu.memory_space<hbm>> -> memref<64x768xf32, #tpu.memory_space<hbm>>
      %dma_start3A_147 = arith.constant 0 : i32
      %dma_start3A_148 = tpu.memref_slice %arg4[%mul3A_145, %dma_start3A_147] : memref<18496x768xf32, #tpu.memory_space<hbm>> -> memref<64x768xf32, #tpu.memory_space<hbm>>
      tpu.enqueue_dma source(%arg7 : memref<64x768xf32, #tpu.memory_space<vmem>>) target(%dma_start3A_148 : memref<64x768xf32, #tpu.memory_space<hbm>>) target_semaphore(%arg11 : memref<!tpu.dma_semaphore, #tpu.memory_space<semaphore_mem>>)
      %mul3A_149 = arith.constant 64 : i32
      %mul3A_150 = arith.muli %add3A_55, %mul3A_149 : i32
      %dma_wait3A_151 = arith.constant 0 : i32
      %dma_wait3A_152 = tpu.memref_slice %arg4[%mul3A_150, %dma_wait3A_151] : memref<18496x768xf32, #tpu.memory_space<hbm>> -> memref<64x768xf32, #tpu.memory_space<hbm>>
      %dma_wait3A_153 = arith.constant 0 : i32
      %dma_wait3A_154 = tpu.memref_slice %arg4[%mul3A_150, %dma_wait3A_153] : memref<18496x768xf32, #tpu.memory_space<hbm>> -> memref<64x768xf32, #tpu.memory_space<hbm>>
      tpu.wait_dma2 semaphore(%arg11 : memref<!tpu.dma_semaphore, #tpu.memory_space<semaphore_mem>>) src(%arg7 : memref<64x768xf32, #tpu.memory_space<vmem>>) dst(%dma_wait3A_154 : memref<64x768xf32, #tpu.memory_space<hbm>>)
    } else {
    }
    %add3A_61 = arith.constant 160 : i32
    %add3A_62 = arith.addi %add3A, %add3A_61 : i32
    %lt3A_63 = arith.constant 289 : i32
    %lt3A_64 = arith.cmpi slt, %add3A_62, %lt3A_63 : i32
    %convert_element_type3A_65 = arith.extui %lt3A_64 : i1 to i32
    %cond3A_66 = arith.constant 0 : i32
    %cond3A_67 = arith.cmpi ne, %convert_element_type3A_65, %cond3A_66 : i32
    scf.if %cond3A_67 {
      %dma_start3A = arith.constant 5 : i32
      %dma_start3A_138 = arith.constant 0 : i32
      %dma_start3A_139 = tpu.memref_slice %arg5[%dma_start3A, %dma_start3A_138] : memref<10x64xi32, #tpu.memory_space<vmem>> -> memref<1x64xi32, #tpu.memory_space<vmem>>
      %dma_start3A_140 = tpu.memref_squeeze %dma_start3A_139 : memref<1x64xi32, #tpu.memory_space<vmem>> -> memref<64xi32, #tpu.memory_space<vmem>>
      %dma_start3A_141 = arith.constant 0 : i32
      %dma_start3A_142 = arith.constant 0 : i32
      %dma_start3A_143 = tpu.memref_slice %arg2[%dma_start3A_141, %dma_start3A_142] : memref<36928x768xf32, #tpu.memory_space<hbm>> -> memref<36928x768xf32, #tpu.memory_space<hbm>>
      tpu.enqueue_indirect_dma source(%dma_start3A_143 : memref<36928x768xf32, #tpu.memory_space<hbm>>) target(%arg7 : memref<64x768xf32, #tpu.memory_space<vmem>>) offsets(%dma_start3A_140 : memref<64xi32, #tpu.memory_space<vmem>>) semaphore(%arg9 : memref<!tpu.dma_semaphore, #tpu.memory_space<semaphore_mem>>)
    } else {
    }
    %add3A_68 = arith.constant 128 : i32
    %add3A_69 = arith.addi %add3A, %add3A_68 : i32
    %lt3A_70 = arith.constant 289 : i32
    %lt3A_71 = arith.cmpi slt, %add3A_69, %lt3A_70 : i32
    %convert_element_type3A_72 = arith.extui %lt3A_71 : i1 to i32
    %cond3A_73 = arith.constant 0 : i32
    %cond3A_74 = arith.cmpi ne, %convert_element_type3A_72, %cond3A_73 : i32
    scf.if %cond3A_74 {
      %dma_wait3A = arith.constant 4 : i32
      %dma_wait3A_138 = arith.constant 0 : i32
      %dma_wait3A_139 = tpu.memref_slice %arg5[%dma_wait3A, %dma_wait3A_138] : memref<10x64xi32, #tpu.memory_space<vmem>> -> memref<1x64xi32, #tpu.memory_space<vmem>>
      %dma_wait3A_140 = tpu.memref_squeeze %dma_wait3A_139 : memref<1x64xi32, #tpu.memory_space<vmem>> -> memref<64xi32, #tpu.memory_space<vmem>>
      %dma_wait3A_141 = arith.constant 0 : i32
      %dma_wait3A_142 = arith.constant 0 : i32
      %dma_wait3A_143 = tpu.memref_slice %arg2[%dma_wait3A_141, %dma_wait3A_142] : memref<36928x768xf32, #tpu.memory_space<hbm>> -> memref<36928x768xf32, #tpu.memory_space<hbm>>
      tpu.wait_indirect_dma semaphore(%arg8 : memref<!tpu.dma_semaphore, #tpu.memory_space<semaphore_mem>>) src(%dma_wait3A_143 : memref<36928x768xf32, #tpu.memory_space<hbm>>) dst(%arg6 : memref<64x768xf32, #tpu.memory_space<vmem>>)
      %mul3A_144 = arith.constant 64 : i32
      %mul3A_145 = arith.muli %add3A_69, %mul3A_144 : i32
      %dma_start3A = arith.constant 0 : i32
      %dma_start3A_146 = tpu.memref_slice %arg4[%mul3A_145, %dma_start3A] : memref<18496x768xf32, #tpu.memory_space<hbm>> -> memref<64x768xf32, #tpu.memory_space<hbm>>
      %dma_start3A_147 = arith.constant 0 : i32
      %dma_start3A_148 = tpu.memref_slice %arg4[%mul3A_145, %dma_start3A_147] : memref<18496x768xf32, #tpu.memory_space<hbm>> -> memref<64x768xf32, #tpu.memory_space<hbm>>
      tpu.enqueue_dma source(%arg6 : memref<64x768xf32, #tpu.memory_space<vmem>>) target(%dma_start3A_148 : memref<64x768xf32, #tpu.memory_space<hbm>>) target_semaphore(%arg10 : memref<!tpu.dma_semaphore, #tpu.memory_space<semaphore_mem>>)
      %mul3A_149 = arith.constant 64 : i32
      %mul3A_150 = arith.muli %add3A_69, %mul3A_149 : i32
      %dma_wait3A_151 = arith.constant 0 : i32
      %dma_wait3A_152 = tpu.memref_slice %arg4[%mul3A_150, %dma_wait3A_151] : memref<18496x768xf32, #tpu.memory_space<hbm>> -> memref<64x768xf32, #tpu.memory_space<hbm>>
      %dma_wait3A_153 = arith.constant 0 : i32
      %dma_wait3A_154 = tpu.memref_slice %arg4[%mul3A_150, %dma_wait3A_153] : memref<18496x768xf32, #tpu.memory_space<hbm>> -> memref<64x768xf32, #tpu.memory_space<hbm>>
      tpu.wait_dma2 semaphore(%arg10 : memref<!tpu.dma_semaphore, #tpu.memory_space<semaphore_mem>>) src(%arg6 : memref<64x768xf32, #tpu.memory_space<vmem>>) dst(%dma_wait3A_154 : memref<64x768xf32, #tpu.memory_space<hbm>>)
    } else {
    }
    %add3A_75 = arith.constant 192 : i32
    %add3A_76 = arith.addi %add3A, %add3A_75 : i32
    %lt3A_77 = arith.constant 289 : i32
    %lt3A_78 = arith.cmpi slt, %add3A_76, %lt3A_77 : i32
    %convert_element_type3A_79 = arith.extui %lt3A_78 : i1 to i32
    %cond3A_80 = arith.constant 0 : i32
    %cond3A_81 = arith.cmpi ne, %convert_element_type3A_79, %cond3A_80 : i32
    scf.if %cond3A_81 {
      %dma_start3A = arith.constant 6 : i32
      %dma_start3A_138 = arith.constant 0 : i32
      %dma_start3A_139 = tpu.memref_slice %arg5[%dma_start3A, %dma_start3A_138] : memref<10x64xi32, #tpu.memory_space<vmem>> -> memref<1x64xi32, #tpu.memory_space<vmem>>
      %dma_start3A_140 = tpu.memref_squeeze %dma_start3A_139 : memref<1x64xi32, #tpu.memory_space<vmem>> -> memref<64xi32, #tpu.memory_space<vmem>>
      %dma_start3A_141 = arith.constant 0 : i32
      %dma_start3A_142 = arith.constant 0 : i32
      %dma_start3A_143 = tpu.memref_slice %arg2[%dma_start3A_141, %dma_start3A_142] : memref<36928x768xf32, #tpu.memory_space<hbm>> -> memref<36928x768xf32, #tpu.memory_space<hbm>>
      tpu.enqueue_indirect_dma source(%dma_start3A_143 : memref<36928x768xf32, #tpu.memory_space<hbm>>) target(%arg6 : memref<64x768xf32, #tpu.memory_space<vmem>>) offsets(%dma_start3A_140 : memref<64xi32, #tpu.memory_space<vmem>>) semaphore(%arg8 : memref<!tpu.dma_semaphore, #tpu.memory_space<semaphore_mem>>)
    } else {
    }
    %add3A_82 = arith.constant 160 : i32
    %add3A_83 = arith.addi %add3A, %add3A_82 : i32
    %lt3A_84 = arith.constant 289 : i32
    %lt3A_85 = arith.cmpi slt, %add3A_83, %lt3A_84 : i32
    %convert_element_type3A_86 = arith.extui %lt3A_85 : i1 to i32
    %cond3A_87 = arith.constant 0 : i32
    %cond3A_88 = arith.cmpi ne, %convert_element_type3A_86, %cond3A_87 : i32
    scf.if %cond3A_88 {
      %dma_wait3A = arith.constant 5 : i32
      %dma_wait3A_138 = arith.constant 0 : i32
      %dma_wait3A_139 = tpu.memref_slice %arg5[%dma_wait3A, %dma_wait3A_138] : memref<10x64xi32, #tpu.memory_space<vmem>> -> memref<1x64xi32, #tpu.memory_space<vmem>>
      %dma_wait3A_140 = tpu.memref_squeeze %dma_wait3A_139 : memref<1x64xi32, #tpu.memory_space<vmem>> -> memref<64xi32, #tpu.memory_space<vmem>>
      %dma_wait3A_141 = arith.constant 0 : i32
      %dma_wait3A_142 = arith.constant 0 : i32
      %dma_wait3A_143 = tpu.memref_slice %arg2[%dma_wait3A_141, %dma_wait3A_142] : memref<36928x768xf32, #tpu.memory_space<hbm>> -> memref<36928x768xf32, #tpu.memory_space<hbm>>
      tpu.wait_indirect_dma semaphore(%arg9 : memref<!tpu.dma_semaphore, #tpu.memory_space<semaphore_mem>>) src(%dma_wait3A_143 : memref<36928x768xf32, #tpu.memory_space<hbm>>) dst(%arg7 : memref<64x768xf32, #tpu.memory_space<vmem>>)
      %mul3A_144 = arith.constant 64 : i32
      %mul3A_145 = arith.muli %add3A_83, %mul3A_144 : i32
      %dma_start3A = arith.constant 0 : i32
      %dma_start3A_146 = tpu.memref_slice %arg4[%mul3A_145, %dma_start3A] : memref<18496x768xf32, #tpu.memory_space<hbm>> -> memref<64x768xf32, #tpu.memory_space<hbm>>
      %dma_start3A_147 = arith.constant 0 : i32
      %dma_start3A_148 = tpu.memref_slice %arg4[%mul3A_145, %dma_start3A_147] : memref<18496x768xf32, #tpu.memory_space<hbm>> -> memref<64x768xf32, #tpu.memory_space<hbm>>
      tpu.enqueue_dma source(%arg7 : memref<64x768xf32, #tpu.memory_space<vmem>>) target(%dma_start3A_148 : memref<64x768xf32, #tpu.memory_space<hbm>>) target_semaphore(%arg11 : memref<!tpu.dma_semaphore, #tpu.memory_space<semaphore_mem>>)
      %mul3A_149 = arith.constant 64 : i32
      %mul3A_150 = arith.muli %add3A_83, %mul3A_149 : i32
      %dma_wait3A_151 = arith.constant 0 : i32
      %dma_wait3A_152 = tpu.memref_slice %arg4[%mul3A_150, %dma_wait3A_151] : memref<18496x768xf32, #tpu.memory_space<hbm>> -> memref<64x768xf32, #tpu.memory_space<hbm>>
      %dma_wait3A_153 = arith.constant 0 : i32
      %dma_wait3A_154 = tpu.memref_slice %arg4[%mul3A_150, %dma_wait3A_153] : memref<18496x768xf32, #tpu.memory_space<hbm>> -> memref<64x768xf32, #tpu.memory_space<hbm>>
      tpu.wait_dma2 semaphore(%arg11 : memref<!tpu.dma_semaphore, #tpu.memory_space<semaphore_mem>>) src(%arg7 : memref<64x768xf32, #tpu.memory_space<vmem>>) dst(%dma_wait3A_154 : memref<64x768xf32, #tpu.memory_space<hbm>>)
    } else {
    }
    %add3A_89 = arith.constant 224 : i32
    %add3A_90 = arith.addi %add3A, %add3A_89 : i32
    %lt3A_91 = arith.constant 289 : i32
    %lt3A_92 = arith.cmpi slt, %add3A_90, %lt3A_91 : i32
    %convert_element_type3A_93 = arith.extui %lt3A_92 : i1 to i32
    %cond3A_94 = arith.constant 0 : i32
    %cond3A_95 = arith.cmpi ne, %convert_element_type3A_93, %cond3A_94 : i32
    scf.if %cond3A_95 {
      %dma_start3A = arith.constant 7 : i32
      %dma_start3A_138 = arith.constant 0 : i32
      %dma_start3A_139 = tpu.memref_slice %arg5[%dma_start3A, %dma_start3A_138] : memref<10x64xi32, #tpu.memory_space<vmem>> -> memref<1x64xi32, #tpu.memory_space<vmem>>
      %dma_start3A_140 = tpu.memref_squeeze %dma_start3A_139 : memref<1x64xi32, #tpu.memory_space<vmem>> -> memref<64xi32, #tpu.memory_space<vmem>>
      %dma_start3A_141 = arith.constant 0 : i32
      %dma_start3A_142 = arith.constant 0 : i32
      %dma_start3A_143 = tpu.memref_slice %arg2[%dma_start3A_141, %dma_start3A_142] : memref<36928x768xf32, #tpu.memory_space<hbm>> -> memref<36928x768xf32, #tpu.memory_space<hbm>>
      tpu.enqueue_indirect_dma source(%dma_start3A_143 : memref<36928x768xf32, #tpu.memory_space<hbm>>) target(%arg7 : memref<64x768xf32, #tpu.memory_space<vmem>>) offsets(%dma_start3A_140 : memref<64xi32, #tpu.memory_space<vmem>>) semaphore(%arg9 : memref<!tpu.dma_semaphore, #tpu.memory_space<semaphore_mem>>)
    } else {
    }
    %add3A_96 = arith.constant 192 : i32
    %add3A_97 = arith.addi %add3A, %add3A_96 : i32
    %lt3A_98 = arith.constant 289 : i32
    %lt3A_99 = arith.cmpi slt, %add3A_97, %lt3A_98 : i32
    %convert_element_type3A_100 = arith.extui %lt3A_99 : i1 to i32
    %cond3A_101 = arith.constant 0 : i32
    %cond3A_102 = arith.cmpi ne, %convert_element_type3A_100, %cond3A_101 : i32
    scf.if %cond3A_102 {
      %dma_wait3A = arith.constant 6 : i32
      %dma_wait3A_138 = arith.constant 0 : i32
      %dma_wait3A_139 = tpu.memref_slice %arg5[%dma_wait3A, %dma_wait3A_138] : memref<10x64xi32, #tpu.memory_space<vmem>> -> memref<1x64xi32, #tpu.memory_space<vmem>>
      %dma_wait3A_140 = tpu.memref_squeeze %dma_wait3A_139 : memref<1x64xi32, #tpu.memory_space<vmem>> -> memref<64xi32, #tpu.memory_space<vmem>>
      %dma_wait3A_141 = arith.constant 0 : i32
      %dma_wait3A_142 = arith.constant 0 : i32
      %dma_wait3A_143 = tpu.memref_slice %arg2[%dma_wait3A_141, %dma_wait3A_142] : memref<36928x768xf32, #tpu.memory_space<hbm>> -> memref<36928x768xf32, #tpu.memory_space<hbm>>
      tpu.wait_indirect_dma semaphore(%arg8 : memref<!tpu.dma_semaphore, #tpu.memory_space<semaphore_mem>>) src(%dma_wait3A_143 : memref<36928x768xf32, #tpu.memory_space<hbm>>) dst(%arg6 : memref<64x768xf32, #tpu.memory_space<vmem>>)
      %mul3A_144 = arith.constant 64 : i32
      %mul3A_145 = arith.muli %add3A_97, %mul3A_144 : i32
      %dma_start3A = arith.constant 0 : i32
      %dma_start3A_146 = tpu.memref_slice %arg4[%mul3A_145, %dma_start3A] : memref<18496x768xf32, #tpu.memory_space<hbm>> -> memref<64x768xf32, #tpu.memory_space<hbm>>
      %dma_start3A_147 = arith.constant 0 : i32
      %dma_start3A_148 = tpu.memref_slice %arg4[%mul3A_145, %dma_start3A_147] : memref<18496x768xf32, #tpu.memory_space<hbm>> -> memref<64x768xf32, #tpu.memory_space<hbm>>
      tpu.enqueue_dma source(%arg6 : memref<64x768xf32, #tpu.memory_space<vmem>>) target(%dma_start3A_148 : memref<64x768xf32, #tpu.memory_space<hbm>>) target_semaphore(%arg10 : memref<!tpu.dma_semaphore, #tpu.memory_space<semaphore_mem>>)
      %mul3A_149 = arith.constant 64 : i32
      %mul3A_150 = arith.muli %add3A_97, %mul3A_149 : i32
      %dma_wait3A_151 = arith.constant 0 : i32
      %dma_wait3A_152 = tpu.memref_slice %arg4[%mul3A_150, %dma_wait3A_151] : memref<18496x768xf32, #tpu.memory_space<hbm>> -> memref<64x768xf32, #tpu.memory_space<hbm>>
      %dma_wait3A_153 = arith.constant 0 : i32
      %dma_wait3A_154 = tpu.memref_slice %arg4[%mul3A_150, %dma_wait3A_153] : memref<18496x768xf32, #tpu.memory_space<hbm>> -> memref<64x768xf32, #tpu.memory_space<hbm>>
      tpu.wait_dma2 semaphore(%arg10 : memref<!tpu.dma_semaphore, #tpu.memory_space<semaphore_mem>>) src(%arg6 : memref<64x768xf32, #tpu.memory_space<vmem>>) dst(%dma_wait3A_154 : memref<64x768xf32, #tpu.memory_space<hbm>>)
    } else {
    }
    %add3A_103 = arith.constant 256 : i32
    %add3A_104 = arith.addi %add3A, %add3A_103 : i32
    %lt3A_105 = arith.constant 289 : i32
    %lt3A_106 = arith.cmpi slt, %add3A_104, %lt3A_105 : i32
    %convert_element_type3A_107 = arith.extui %lt3A_106 : i1 to i32
    %cond3A_108 = arith.constant 0 : i32
    %cond3A_109 = arith.cmpi ne, %convert_element_type3A_107, %cond3A_108 : i32
    scf.if %cond3A_109 {
      %dma_start3A = arith.constant 8 : i32
      %dma_start3A_138 = arith.constant 0 : i32
      %dma_start3A_139 = tpu.memref_slice %arg5[%dma_start3A, %dma_start3A_138] : memref<10x64xi32, #tpu.memory_space<vmem>> -> memref<1x64xi32, #tpu.memory_space<vmem>>
      %dma_start3A_140 = tpu.memref_squeeze %dma_start3A_139 : memref<1x64xi32, #tpu.memory_space<vmem>> -> memref<64xi32, #tpu.memory_space<vmem>>
      %dma_start3A_141 = arith.constant 0 : i32
      %dma_start3A_142 = arith.constant 0 : i32
      %dma_start3A_143 = tpu.memref_slice %arg2[%dma_start3A_141, %dma_start3A_142] : memref<36928x768xf32, #tpu.memory_space<hbm>> -> memref<36928x768xf32, #tpu.memory_space<hbm>>
      tpu.enqueue_indirect_dma source(%dma_start3A_143 : memref<36928x768xf32, #tpu.memory_space<hbm>>) target(%arg6 : memref<64x768xf32, #tpu.memory_space<vmem>>) offsets(%dma_start3A_140 : memref<64xi32, #tpu.memory_space<vmem>>) semaphore(%arg8 : memref<!tpu.dma_semaphore, #tpu.memory_space<semaphore_mem>>)
    } else {
    }
    %add3A_110 = arith.constant 224 : i32
    %add3A_111 = arith.addi %add3A, %add3A_110 : i32
    %lt3A_112 = arith.constant 289 : i32
    %lt3A_113 = arith.cmpi slt, %add3A_111, %lt3A_112 : i32
    %convert_element_type3A_114 = arith.extui %lt3A_113 : i1 to i32
    %cond3A_115 = arith.constant 0 : i32
    %cond3A_116 = arith.cmpi ne, %convert_element_type3A_114, %cond3A_115 : i32
    scf.if %cond3A_116 {
      %dma_wait3A = arith.constant 7 : i32
      %dma_wait3A_138 = arith.constant 0 : i32
      %dma_wait3A_139 = tpu.memref_slice %arg5[%dma_wait3A, %dma_wait3A_138] : memref<10x64xi32, #tpu.memory_space<vmem>> -> memref<1x64xi32, #tpu.memory_space<vmem>>
      %dma_wait3A_140 = tpu.memref_squeeze %dma_wait3A_139 : memref<1x64xi32, #tpu.memory_space<vmem>> -> memref<64xi32, #tpu.memory_space<vmem>>
      %dma_wait3A_141 = arith.constant 0 : i32
      %dma_wait3A_142 = arith.constant 0 : i32
      %dma_wait3A_143 = tpu.memref_slice %arg2[%dma_wait3A_141, %dma_wait3A_142] : memref<36928x768xf32, #tpu.memory_space<hbm>> -> memref<36928x768xf32, #tpu.memory_space<hbm>>
      tpu.wait_indirect_dma semaphore(%arg9 : memref<!tpu.dma_semaphore, #tpu.memory_space<semaphore_mem>>) src(%dma_wait3A_143 : memref<36928x768xf32, #tpu.memory_space<hbm>>) dst(%arg7 : memref<64x768xf32, #tpu.memory_space<vmem>>)
      %mul3A_144 = arith.constant 64 : i32
      %mul3A_145 = arith.muli %add3A_111, %mul3A_144 : i32
      %dma_start3A = arith.constant 0 : i32
      %dma_start3A_146 = tpu.memref_slice %arg4[%mul3A_145, %dma_start3A] : memref<18496x768xf32, #tpu.memory_space<hbm>> -> memref<64x768xf32, #tpu.memory_space<hbm>>
      %dma_start3A_147 = arith.constant 0 : i32
      %dma_start3A_148 = tpu.memref_slice %arg4[%mul3A_145, %dma_start3A_147] : memref<18496x768xf32, #tpu.memory_space<hbm>> -> memref<64x768xf32, #tpu.memory_space<hbm>>
      tpu.enqueue_dma source(%arg7 : memref<64x768xf32, #tpu.memory_space<vmem>>) target(%dma_start3A_148 : memref<64x768xf32, #tpu.memory_space<hbm>>) target_semaphore(%arg11 : memref<!tpu.dma_semaphore, #tpu.memory_space<semaphore_mem>>)
      %mul3A_149 = arith.constant 64 : i32
      %mul3A_150 = arith.muli %add3A_111, %mul3A_149 : i32
      %dma_wait3A_151 = arith.constant 0 : i32
      %dma_wait3A_152 = tpu.memref_slice %arg4[%mul3A_150, %dma_wait3A_151] : memref<18496x768xf32, #tpu.memory_space<hbm>> -> memref<64x768xf32, #tpu.memory_space<hbm>>
      %dma_wait3A_153 = arith.constant 0 : i32
      %dma_wait3A_154 = tpu.memref_slice %arg4[%mul3A_150, %dma_wait3A_153] : memref<18496x768xf32, #tpu.memory_space<hbm>> -> memref<64x768xf32, #tpu.memory_space<hbm>>
      tpu.wait_dma2 semaphore(%arg11 : memref<!tpu.dma_semaphore, #tpu.memory_space<semaphore_mem>>) src(%arg7 : memref<64x768xf32, #tpu.memory_space<vmem>>) dst(%dma_wait3A_154 : memref<64x768xf32, #tpu.memory_space<hbm>>)
    } else {
    }
    %add3A_117 = arith.constant 288 : i32
    %add3A_118 = arith.addi %add3A, %add3A_117 : i32
    %lt3A_119 = arith.constant 289 : i32
    %lt3A_120 = arith.cmpi slt, %add3A_118, %lt3A_119 : i32
    %convert_element_type3A_121 = arith.extui %lt3A_120 : i1 to i32
    %cond3A_122 = arith.constant 0 : i32
    %cond3A_123 = arith.cmpi ne, %convert_element_type3A_121, %cond3A_122 : i32
    scf.if %cond3A_123 {
      %dma_start3A = arith.constant 9 : i32
      %dma_start3A_138 = arith.constant 0 : i32
      %dma_start3A_139 = tpu.memref_slice %arg5[%dma_start3A, %dma_start3A_138] : memref<10x64xi32, #tpu.memory_space<vmem>> -> memref<1x64xi32, #tpu.memory_space<vmem>>
      %dma_start3A_140 = tpu.memref_squeeze %dma_start3A_139 : memref<1x64xi32, #tpu.memory_space<vmem>> -> memref<64xi32, #tpu.memory_space<vmem>>
      %dma_start3A_141 = arith.constant 0 : i32
      %dma_start3A_142 = arith.constant 0 : i32
      %dma_start3A_143 = tpu.memref_slice %arg2[%dma_start3A_141, %dma_start3A_142] : memref<36928x768xf32, #tpu.memory_space<hbm>> -> memref<36928x768xf32, #tpu.memory_space<hbm>>
      tpu.enqueue_indirect_dma source(%dma_start3A_143 : memref<36928x768xf32, #tpu.memory_space<hbm>>) target(%arg7 : memref<64x768xf32, #tpu.memory_space<vmem>>) offsets(%dma_start3A_140 : memref<64xi32, #tpu.memory_space<vmem>>) semaphore(%arg9 : memref<!tpu.dma_semaphore, #tpu.memory_space<semaphore_mem>>)
    } else {
    }
    %add3A_124 = arith.constant 256 : i32
    %add3A_125 = arith.addi %add3A, %add3A_124 : i32
    %lt3A_126 = arith.constant 289 : i32
    %lt3A_127 = arith.cmpi slt, %add3A_125, %lt3A_126 : i32
    %convert_element_type3A_128 = arith.extui %lt3A_127 : i1 to i32
    %cond3A_129 = arith.constant 0 : i32
    %cond3A_130 = arith.cmpi ne, %convert_element_type3A_128, %cond3A_129 : i32
    scf.if %cond3A_130 {
      %dma_wait3A = arith.constant 8 : i32
      %dma_wait3A_138 = arith.constant 0 : i32
      %dma_wait3A_139 = tpu.memref_slice %arg5[%dma_wait3A, %dma_wait3A_138] : memref<10x64xi32, #tpu.memory_space<vmem>> -> memref<1x64xi32, #tpu.memory_space<vmem>>
      %dma_wait3A_140 = tpu.memref_squeeze %dma_wait3A_139 : memref<1x64xi32, #tpu.memory_space<vmem>> -> memref<64xi32, #tpu.memory_space<vmem>>
      %dma_wait3A_141 = arith.constant 0 : i32
      %dma_wait3A_142 = arith.constant 0 : i32
      %dma_wait3A_143 = tpu.memref_slice %arg2[%dma_wait3A_141, %dma_wait3A_142] : memref<36928x768xf32, #tpu.memory_space<hbm>> -> memref<36928x768xf32, #tpu.memory_space<hbm>>
      tpu.wait_indirect_dma semaphore(%arg8 : memref<!tpu.dma_semaphore, #tpu.memory_space<semaphore_mem>>) src(%dma_wait3A_143 : memref<36928x768xf32, #tpu.memory_space<hbm>>) dst(%arg6 : memref<64x768xf32, #tpu.memory_space<vmem>>)
      %mul3A_144 = arith.constant 64 : i32
      %mul3A_145 = arith.muli %add3A_125, %mul3A_144 : i32
      %dma_start3A = arith.constant 0 : i32
      %dma_start3A_146 = tpu.memref_slice %arg4[%mul3A_145, %dma_start3A] : memref<18496x768xf32, #tpu.memory_space<hbm>> -> memref<64x768xf32, #tpu.memory_space<hbm>>
      %dma_start3A_147 = arith.constant 0 : i32
      %dma_start3A_148 = tpu.memref_slice %arg4[%mul3A_145, %dma_start3A_147] : memref<18496x768xf32, #tpu.memory_space<hbm>> -> memref<64x768xf32, #tpu.memory_space<hbm>>
      tpu.enqueue_dma source(%arg6 : memref<64x768xf32, #tpu.memory_space<vmem>>) target(%dma_start3A_148 : memref<64x768xf32, #tpu.memory_space<hbm>>) target_semaphore(%arg10 : memref<!tpu.dma_semaphore, #tpu.memory_space<semaphore_mem>>)
      %mul3A_149 = arith.constant 64 : i32
      %mul3A_150 = arith.muli %add3A_125, %mul3A_149 : i32
      %dma_wait3A_151 = arith.constant 0 : i32
      %dma_wait3A_152 = tpu.memref_slice %arg4[%mul3A_150, %dma_wait3A_151] : memref<18496x768xf32, #tpu.memory_space<hbm>> -> memref<64x768xf32, #tpu.memory_space<hbm>>
      %dma_wait3A_153 = arith.constant 0 : i32
      %dma_wait3A_154 = tpu.memref_slice %arg4[%mul3A_150, %dma_wait3A_153] : memref<18496x768xf32, #tpu.memory_space<hbm>> -> memref<64x768xf32, #tpu.memory_space<hbm>>
      tpu.wait_dma2 semaphore(%arg10 : memref<!tpu.dma_semaphore, #tpu.memory_space<semaphore_mem>>) src(%arg6 : memref<64x768xf32, #tpu.memory_space<vmem>>) dst(%dma_wait3A_154 : memref<64x768xf32, #tpu.memory_space<hbm>>)
    } else {
    }
    %add3A_131 = arith.constant 288 : i32
    %add3A_132 = arith.addi %add3A, %add3A_131 : i32
    %lt3A_133 = arith.constant 289 : i32
    %lt3A_134 = arith.cmpi slt, %add3A_132, %lt3A_133 : i32
    %convert_element_type3A_135 = arith.extui %lt3A_134 : i1 to i32
    %cond3A_136 = arith.constant 0 : i32
    %cond3A_137 = arith.cmpi ne, %convert_element_type3A_135, %cond3A_136 : i32
    scf.if %cond3A_137 {
      %dma_wait3A = arith.constant 9 : i32
      %dma_wait3A_138 = arith.constant 0 : i32
      %dma_wait3A_139 = tpu.memref_slice %arg5[%dma_wait3A, %dma_wait3A_138] : memref<10x64xi32, #tpu.memory_space<vmem>> -> memref<1x64xi32, #tpu.memory_space<vmem>>
      %dma_wait3A_140 = tpu.memref_squeeze %dma_wait3A_139 : memref<1x64xi32, #tpu.memory_space<vmem>> -> memref<64xi32, #tpu.memory_space<vmem>>
      %dma_wait3A_141 = arith.constant 0 : i32
      %dma_wait3A_142 = arith.constant 0 : i32
      %dma_wait3A_143 = tpu.memref_slice %arg2[%dma_wait3A_141, %dma_wait3A_142] : memref<36928x768xf32, #tpu.memory_space<hbm>> -> memref<36928x768xf32, #tpu.memory_space<hbm>>
      tpu.wait_indirect_dma semaphore(%arg9 : memref<!tpu.dma_semaphore, #tpu.memory_space<semaphore_mem>>) src(%dma_wait3A_143 : memref<36928x768xf32, #tpu.memory_space<hbm>>) dst(%arg7 : memref<64x768xf32, #tpu.memory_space<vmem>>)
      %mul3A_144 = arith.constant 64 : i32
      %mul3A_145 = arith.muli %add3A_132, %mul3A_144 : i32
      %dma_start3A = arith.constant 0 : i32
      %dma_start3A_146 = tpu.memref_slice %arg4[%mul3A_145, %dma_start3A] : memref<18496x768xf32, #tpu.memory_space<hbm>> -> memref<64x768xf32, #tpu.memory_space<hbm>>
      %dma_start3A_147 = arith.constant 0 : i32
      %dma_start3A_148 = tpu.memref_slice %arg4[%mul3A_145, %dma_start3A_147] : memref<18496x768xf32, #tpu.memory_space<hbm>> -> memref<64x768xf32, #tpu.memory_space<hbm>>
      tpu.enqueue_dma source(%arg7 : memref<64x768xf32, #tpu.memory_space<vmem>>) target(%dma_start3A_148 : memref<64x768xf32, #tpu.memory_space<hbm>>) target_semaphore(%arg11 : memref<!tpu.dma_semaphore, #tpu.memory_space<semaphore_mem>>)
      %mul3A_149 = arith.constant 64 : i32
      %mul3A_150 = arith.muli %add3A_132, %mul3A_149 : i32
      %dma_wait3A_151 = arith.constant 0 : i32
      %dma_wait3A_152 = tpu.memref_slice %arg4[%mul3A_150, %dma_wait3A_151] : memref<18496x768xf32, #tpu.memory_space<hbm>> -> memref<64x768xf32, #tpu.memory_space<hbm>>
      %dma_wait3A_153 = arith.constant 0 : i32
      %dma_wait3A_154 = tpu.memref_slice %arg4[%mul3A_150, %dma_wait3A_153] : memref<18496x768xf32, #tpu.memory_space<hbm>> -> memref<64x768xf32, #tpu.memory_space<hbm>>
      tpu.wait_dma2 semaphore(%arg11 : memref<!tpu.dma_semaphore, #tpu.memory_space<semaphore_mem>>) src(%arg7 : memref<64x768xf32, #tpu.memory_space<vmem>>) dst(%dma_wait3A_154 : memref<64x768xf32, #tpu.memory_space<hbm>>)
    } else {
    }
    return
  }
}

</mosaic_0001>

<sc_bundles>
// kernel: kernel.3.cloned.1.call-start
scs
__scs_entry_jumppad:
0x0: {  	(pc) =	sbr.rel $0x88, $3  }
0x1: {  	(tag) =	ssettag $0x0;
	lr =	simm.s32 $0x1  }
0x2: {  	[smem:$0x3FA0] =	sst lr;
	_ =	strace $0xD0000000  }
0x3: {  	_ = 	snop  }
0x4: {  	_ = 	snop  }
0x5: {  	_ = 	snop  }
0x6: {  	_ = 	snop  }
0x7: {  	_ = 	snop  }
__scs_overlays_trampoline_lowered:
0x8: {  	[smem:$0x3FAF] =	sst s0  }
0x9: {  	[smem:$0x3FB0] =	sst s1  }
0xa: {  	[smem:$0x3FB1] =	sst s2  }
0xb: {  	[smem:$0x3FB2] =	sst s3  }
0xc: {  	[smem:$0x3FB3] =	sst s4  }
0xd: {  	[smem:$0x3FB4] =	sst s5  }
0xe: {  	[smem:$0x3FB5] =	sst s6  }
0xf: {  	[smem:$0x3FB6] =	sst s7  }
0x10: {  	[smem:$0x3FB7] =	sst s8  }
0x11: {  	[smem:$0x3FB8] =	sst s9;
	s0 =	simm.s32 @!p0 $0x0  }
0x12: {  	s1 =	sld [smem:$0x3F9E];
	s0 =	simm.s32 @p0 $0x1  }
0x13: {  	[smem:$0x3FB9] =	sst s0;
	s0 =	simm.s32 @!p1 $0x0  }
0x14: {  	s2 =	sld [smem:$0x3F9D];
	s0 =	simm.s32 @p1 $0x1  }
0x15: {  	[smem:$0x3FBA] =	sst s0;
	s0 =	simm.s32 @!p2 $0x0  }
0x16: {  	s3 =	sld [smem:$0x3FDB];
	s0 =	simm.s32 @p2 $0x1  }
0x17: {  	s4 =	simm.s32 $0x1BF5;
	[smem:$0x3FBC] =	sst s0  }
0x18: {  	s0 =	sld [smem:$0x3F9F];
	_ =	swait.ge [sflag:s4], $0x0  }
0x19: {  	s7 =	sld [smem:$0x3FA0]  }
0x1a: {  	s8 =	sadd.s32 $0xFFFFE003, lr  }
0x1b: {  	s9 =	sadd.s32 $0xFFFFFEF7, lr;
	s5 =	simm.s32 $0xFFFFFFFF;
	p2 =	slt.u32 s8, $0xFFFFF086  }
0x1c: {  	p1 =	slt.u32 s9, $0xF7A;
	s5 =	simm.s32 @!p2 $0x0  }
0x1d: {  	s5 =	simm.s32 @p1 $0x1;
	p0 =	seq.s32 s7, s2  }
0x1e: {  	s7 =	smul.u32 @!p0 $0xF7A, s2;
	p2 =	seq.s32 @!p0 s5, $0x0  }
0x1f: {  	s9 =	smul.u32 $0xF7A, s1;
	s8 =	simm.s32 @!p0 $0x1BF5;
	p2 =	por !p2, p0  }
0x20: {  	[sflag:s8] =	ssyncset.s32 @!p0 $0xFFFFF086;
	s6 =	sadd.s32 @!p0 s3, s7;
	s7 =	simm.s32 @!p0 $0x108  }
0x21: {  	s3 =	sadd.s32 s3, s9;
	s6 =	sadd.s32 @!p0 $0x88, s6;
	s7 =	simm.s32 @p2 $0x1082  }
0x22: {  	[simem:s7], [sflag:s8] =	dma.local @!p0 [hbm:s6], $0xF7A  }
0x23: {  	s9 =	sor.u32 $0xD0000000, s2;
	s6 =	simm.s32 $0x108;
	_ =	swait.ge @!p0 [sflag:s8], $0x0  }
0x24: {  	s3 =	sadd.s32 $0x88, s3;
	s6 =	simm.s32 @!p1 $0x1082;
	[sflag:s4] =	ssyncset.s32 $0xFFFFF086  }
0x25: {  	[simem:s6], [sflag:s4] =	dma.local [hbm:s3], $0xF7A  }
0x26: {  	[smem:$0x3FA0] =	sst s1;
	(tag) =	ssettag s2;
	_ =	strace s9  }
0x27: {  	s1 =	sld [smem:$0x3FB0]  }
0x28: {  	s2 =	sld [smem:$0x3FB1]  }
0x29: {  	s4 =	sld [smem:$0x3FB3]  }
0x2a: {  	p0 =	seq.s32 s5, $0x0;
	s5 =	sld [smem:$0x3FB4]  }
0x2b: {  	s6 =	sld [smem:$0x3FB5]  }
0x2c: {  	s7 =	sld [smem:$0x3FB6]  }
0x2d: {  	s3 =	simm.s32 $0x108;
	s8 =	sld [smem:$0x3FB7]  }
0x2e: {  	s3 =	simm.s32 @!p0 $0x1082;
	s9 =	sld [smem:$0x3FB8]  }
0x2f: {  	lr =	sadd.s32 s0, s3;
	s0 =	sld [smem:$0x3FAF]  }
0x30: {  	s3 =	sld [smem:$0x3FB2]  }
0x31: {  	[smem:$0x3FBB] =	sst s10  }
0x32: {  	s10 =	sld [smem:$0x3FB9];
	_ =	sdelay $0x3  }
0x33: {  	p0 =	seq.s32 s10, $0x1;
	s10 =	sld [smem:$0x3FBB];
	_ =	sdelay $0x3  }
0x34: {  	[smem:$0x3FBB] =	sst s10  }
0x35: {  	s10 =	sld [smem:$0x3FBA];
	_ =	sdelay $0x3  }
0x36: {  	p1 =	seq.s32 s10, $0x1;
	s10 =	sld [smem:$0x3FBB];
	_ =	sdelay $0x3  }
0x37: {  	[smem:$0x3FBB] =	sst s10  }
0x38: {  	s10 =	sld [smem:$0x3FBC]  }
0x39: {  	_ = 	snop;
	(pc) =	sbr.ind lr, $3  }
0x3a: {  	_ = 	snop  }
0x3b: {  	_ = 	snop  }
0x3c: {  	p2 =	seq.s32 s10, $0x1;
	s10 =	sld [smem:$0x3FBB]  }
0x3d: {  	_ =	shalt  }
0x3e: {  	_ =	shalt  }
0x3f: {  	_ =	shalt  }
0x40: {  	_ =	shalt  }
0x41: {  	_ =	shalt  }
0x42: {  	_ =	shalt  }
0x43: {  	_ =	shalt  }
0x44: {  	_ =	shalt  }
0x45: {  	_ =	shalt  }
0x46: {  	_ =	shalt  }
0x47: {  	_ =	shalt  }
0x48: {  	_ =	shalt  }
0x49: {  	_ =	shalt  }
0x4a: {  	_ =	shalt  }
0x4b: {  	_ =	shalt  }
0x4c: {  	_ =	shalt  }
0x4d: {  	_ =	shalt  }
0x4e: {  	_ =	shalt  }
0x4f: {  	_ =	shalt  }
0x50: {  	_ =	shalt  }
0x51: {  	_ =	shalt  }
0x52: {  	_ =	shalt  }
0x53: {  	_ =	shalt  }
0x54: {  	_ =	shalt  }
0x55: {  	_ =	shalt  }
0x56: {  	_ =	shalt  }
0x57: {  	_ =	shalt  }
0x58: {  	_ =	shalt  }
0x59: {  	_ =	shalt  }
0x5a: {  	_ =	shalt  }
0x5b: {  	_ =	shalt  }
0x5c: {  	_ =	shalt  }
0x5d: {  	_ =	shalt  }
0x5e: {  	_ =	shalt  }
0x5f: {  	_ =	shalt  }
0x60: {  	_ =	shalt  }
0x61: {  	_ =	shalt  }
0x62: {  	_ =	shalt  }
0x63: {  	_ =	shalt  }
0x64: {  	_ =	shalt  }
0x65: {  	_ =	shalt  }
0x66: {  	_ =	shalt  }
0x67: {  	_ =	shalt  }
0x68: {  	_ =	shalt  }
0x69: {  	_ =	shalt  }
0x6a: {  	_ =	shalt  }
0x6b: {  	_ =	shalt  }
0x6c: {  	_ =	shalt  }
0x6d: {  	_ =	shalt  }
0x6e: {  	_ =	shalt  }
0x6f: {  	_ =	shalt  }
0x70: {  	_ =	shalt  }
0x71: {  	_ =	shalt  }
0x72: {  	_ =	shalt  }
0x73: {  	_ =	shalt  }
0x74: {  	_ =	shalt  }
0x75: {  	_ =	shalt  }
0x76: {  	_ =	shalt  }
0x77: {  	_ =	shalt  }
0x78: {  	_ =	shalt  }
0x79: {  	_ =	shalt  }
0x7a: {  	_ =	shalt  }
0x7b: {  	_ =	shalt  }
0x7c: {  	_ =	shalt  }
0x7d: {  	_ =	shalt  }
0x7e: {  	_ =	shalt  }
0x7f: {  	_ =	shalt  }
0x80: {  	_ =	shalt  }
0x81: {  	_ =	shalt  }
0x82: {  	_ =	shalt  }
0x83: {  	_ =	shalt  }
0x84: {  	_ =	shalt  }
0x85: {  	_ =	shalt  }
0x86: {  	_ =	shalt  }
0x87: {  	_ =	shalt  }
.Lfunc_end0:
.L_simem_size_0:
called_computation.1_lowered:
.L_overlay_start_0:
0x88: {  	s2 =	sld [smem:$0x3FD9]  }
0x89: {  	s3 =	sld [smem:$0x3FFE];
	_ =	sdelay $0x1  }
0x8a: {  	s1 =	srdreg.scid  }
0x8b: {  	s0 =	sand.u32 $0x1, s1  }
0x8c: {  	s17 =	sshll.u32 s0, $0xA;
	s2 =	sadd.s32 s3, s2  }
0x8d: {  	s2 =	sadd.s32 s2, s17  }
0x8e: {  	[smem:$0x3FC7] =	sst s2  }
0x8f: {  	_ = 	snop  }
0x90: {  	s2 =	sld [smem:$0x3FD0];
	(tm) =	ssettm $0x1  }
0x91: {  	s18 =	sld [smem:$0x3FFB];
	_ =	sdelay $0x3  }
0x92: {  	_ =	strace s18  }
0x93: {  	s3 =	sld [smem:$0x3FFC];
	_ =	sdelay $0x3  }
0x94: {  	_ =	strace s3  }
0x95: {  	s3 =	sld [smem:$0x3FFD];
	_ =	sdelay $0x3  }
0x96: {  	_ =	strace s3  }
0x97: {  	_ =	strace $0x8FFFFFFF  }
0x98: {  	s19 =	sld [smem:$0x3FDB];
	_ =	sdelay $0x1  }
0x99: {  	s4 =	simm.s32 $_scs_section_size  }
0x9a: {  	s5 =	simm.s32 $_size__tile_overlayer_lowered;
	s6 =	simm.s32 $_tile_overlayer_lowered  }
0x9b: {  	s22 =	simm.s32 $0x1BFF;
	s21 =	sshll.u32 s6, $0x1;
	s3 =	sadd.s32 s4, s19  }
0x9c: {  	s7 =	simm.s32 $0x0;
	s20 =	sshll.u32 s5, $0x1;
	s5 =	sadd.s32 s21, s3  }
0x9d: {  	[timem:s7], [sflag:s22] =	dma.local [hbm:s5], s20  }
0x9e: {  	_ =	swait.ge [sflag:s22], s20  }
0x9f: {  	s4 =	ssub.s32 $0x0, s20;
	[sflag:s22] =	ssyncset.done $0x0  }
0xa0: {  	[sflag:s22] =	ssyncadd.s32 s4;
	_ =	sdelay $0x1  }
0xa1: {  	s23 =	simm.s32 $0x1B8B  }
0xa2: {  	_ =	swait.ge [sflag:s23], $0x1  }
0xa3: {  	[sflag:s23] =	ssyncset.done $0x0  }
0xa4: {  	s25 =	simm.s32 $0x1B8E;
	s24 =	sld [smem:$0x3FFE];
	[sflag:s23] =	ssyncadd.s32 $0xFFFFFFFF  }
0xa5: {  	s26 =	simm.s32 $execute0_lowered;
	[smem:$0x3FD2] =	sst s25  }
0xa6: {  	s5 =	sshll.u32 s26, $0x1;
	_ =	strace $0x80000046;
	[dreg:$0x1] =	wrdreg $0xFFFFFFFF  }
0xa7: {  	s28 =	simm.s32 $_size_execute0_lowered;
	s3 =	sadd.s32 s3, s5;
	[dreg:$0x0] =	wrdreg $0x0  }
0xa8: {  	s5 =	sshll.u32 s28, $0x1;
	[dreg:$0x2] =	wrdreg s3  }
0xa9: {  	[dreg:$0x3] =	wrdreg s5  }
0xaa: {  	[dreg:$0x4] =	wrdreg $0xC0  }
0xab: {  	_ =	task [dreg:s7], $0x5FFFF  }
0xac: {  	[dreg:$0x1] =	wrdreg $0xFFFFFFFF  }
0xad: {  	[dreg:$0x0] =	wrdreg $0x60  }
0xae: {  	[dreg:$0x2] =	wrdreg s24  }
0xaf: {  	[dreg:$0x3] =	wrdreg s2  }
0xb0: {  	[dreg:$0x4] =	wrdreg $0x9  }
0xb1: {  	_ =	task.clear_ibuf [dreg:s7], $0x5FFFF;
	_ =	strace $0x90000046  }
0xb2: {  	s29 =	simm.s32 $0x9;
	_ =	strace $0x80000048  }
0xb3: {  	_ =	swait.ge [sflag:s29], $0x1  }
0xb4: {  	[sflag:s29] =	ssyncadd.s32 $0xFFFFFFFF  }
0xb5: {  	_ =	strace $0x90000048  }
0xb6: {  	_ =	sfence  }
0xb7: {  	s30 =	sld [smem:$0x0];
	_ =	sdelay $0x2  }
0xb8: {  	s31 =	sshll.u32 s1, $0xD;
	s1 =	sshrl.u32 s1, $0x2  }
0xb9: {  	s3 =	sand.u32 $0x4000, s31;
	s1 =	sadd.s32 s1, s30  }
0xba: {  	s0 =	sor.u32 s3, s0;
	s1 =	sshll.u32 s1, $0x11  }
0xbb: {  	s0 =	sor.u32 s1, s0  }
0xbc: {  	s0 =	sadd.s32 $0x8F2B, s0  }
0xbd: {  	[sflag:s0] =	ssyncadd.remote.s32 $0x1  }
0xbe: {  	_ =	sfence.sel $0xFFFF  }
0xbf: {  	[dreg:$0x0] =	wrdreg $0xFFFFFFFF;
	(pc) =	sbr.abs _section_cstart, $3  }
0xc0: {  	[dreg:$0x1] =	wrdreg $0xFFFFFFFF  }
0xc1: {  	_ =	task.clear_ibuf [dreg:s7], $0x2FFFF;
	_ =	strace $0x9FFFFFFF  }
0xc2: {  	(tm) =	ssettm $0x7FFFFFFF  }
0xc3: {  	_ =	shalt  }
tec
execute0_lowered:
.L_overlay_start_1:
0x0: {  	(tag) =	ssettag $0x1  }
0x1: {  	s0 =	rddreg [dreg:$0x0]  }
0x2: {  	s1 =	rddreg [dreg:$0x1];
	s2 =	srdreg.scid  }
0x3: {  	s4 =	stileid.u32;
	s18 =	simm.s32 $0x1;
	s3 =	sand.u32 $0x1, s2  }
0x4: {  	s4 =	sshll.u32 s4, $0x1;
	s2 =	simm.s32 $0x0;
	s31 =	sadd.s32 $0x1B0000, s1  }
0x5: {  	s5 =	ssub.s32 $0x2, s3;
	s6 =	sor.u32 s3, s4;
	[smem:$0x7FF] =	sst s2  }
0x6: {  	s3 =	sadd.s32 $0x36C000, s0;
	s7 =	smul.u32 $0x1800, s6;
	s8 =	sshll.u32 s6, $0x8  }
0x7: {  	_ =	strace $0x80000047;
	[dreg:$0xd] =	wrdreg s31;
	s21 =	sadd.s32 s0, s8  }
0x8: {  	s4 =	sadd.s32 $0x36C100, s0;
	s9 =	sadd.s32 s1, s7;
	[dreg:$0x4] =	wrdreg s21  }
0x9: {  	s20 =	sshrl.u32 s5, $0x1;
	s22 =	sadd.s32 $0x30000, s9;
	[dreg:$0x3] =	wrdreg s9  }
0xa: {  	p0 =	sne.s32 s6, $0x0;
	s23 =	sadd.s32 $0x60000, s9;
	[dreg:$0x5] =	wrdreg s22  }
0xb: {  	s5 =	ssub.s32 s5, s20;
	s24 =	sadd.s32 $0x90000, s9;
	[dreg:$0x6] =	wrdreg s23  }
0xc: {  	s20 =	simm.s32 $0x3;
	s25 =	sadd.s32 $0xC0000, s9;
	[dreg:$0x7] =	wrdreg s24  }
.Ltmp0:
0xd: {  	s26 =	sadd.s32 $0xF0000, s9;
	[dreg:$0x8] =	wrdreg s25;
	(pc) =	sbr.rel .LBB2_1-.Ltmp0, $4  }
0xe: {  	s7 =	sadd.s32 $0x36C200, s0;
	s28 =	sadd.s32 $0x120000, s9;
	[dreg:$0x9] =	wrdreg s26  }
0xf: {  	v2 =	vlaneseq.u32;
	s0 =	smax.u32 s5, $0x1;
	s29 =	sadd.s32 $0x150000, s9;
	[dreg:$0xa] =	wrdreg s28  }
0x10: {  	vm0 =	vmmov $0xffff;
	v1 =	vshrl.u32 v2, $0x3;
	s21 =	simm.s32 $0x2;
	s30 =	sadd.s32 $0x180000, s9;
	[dreg:$0xb] =	wrdreg s29  }
0x11: {  	v0 =	vand.u32 $0x7, v2;
	v2 =	vor.u32 $0x8, v2;
	v1 =	vmul.u32 $0x8, v1;
	[dreg:$0xc] =	wrdreg s30;
	s24 =	simm.s32 $0x800;
	s26 =	simm.s32 $0xC800  }
.LBB2_3:
0x12: {  	_ =	swait.ge [sflag:s18], $0xC000  }
0x13: {  	[sflag:s18] =	ssyncset.done $0x0  }
0x14: {  	s23 =	rddreg [dreg:$0xc];
	[sflag:s18] =	ssyncadd.s32 $0xFFFF4000  }
0x15: {  	[hbm4b:s23+s2] =	stream.linear.scatter [tilespmem:s24], [sflag:$0x3], $0xC000, $0x38;
	[tilespmem:$0x18800] =	vst v63  }
0x16: {  	s0 =	rddreg [dreg:$0xe];
	s23 =	simm.s32 $0x3  }
.LBB2_4:
0x17: {  	s0 =	sadd.s32 $0xFFFFFFFF, s0  }
0x18: {  	p1 =	sne.s32 s0, $0x0  }
.Ltmp1:
0x19: {  	_ = 	snop;
	(pc) =	sbr.rel @!p1 .LBB2_5-.Ltmp1, $4  }
0x1a: {  	_ = 	snop  }
0x1b: {  	_ =	swait.ge [sflag:s23], $0xC000  }
0x1c: {  	[sflag:s23] =	ssyncset.done $0x0  }
0x1d: {  	[sflag:s23] =	ssyncadd.s32 $0xFFFF4000  }
.LBB2_1:
0x1e: {  	[dreg:$0xe] =	wrdreg s0  }
0x1f: {  	s23 =	rddreg [dreg:$0x4];
	s6 =	simm.s32 $0x5  }
0x20: {  	[tilespmem:s2], [sflag:$0x5] =	stream.linear.gather [hbm4b:s23+s2], $0x500, $0x38;
	[tilespmem:$0x18800] =	vst v63  }
0x21: {  	_ =	swait.ge [sflag:s6], $0x500  }
0x22: {  	[sflag:s6] =	ssyncset.done $0x0  }
0x23: {  	[sflag:s6] =	ssyncadd.s32 $0xFFFFFB00  }
0x24: {  	v3 =	vld [tilespmem:$0x0];
	_ =	sdelay $0x4  }
0x25: {  	v4 =	vshrl.u32 v3, $0x3  }
0x26: {  	v4 =	vmul.u32 $0x30, v4  }
0x27: {  	v3 =	vand.u32 $0x7, v3  }
0x28: {  	v3 =	vor.u32 v3, v4  }
0x29: {  	v4 =	vperm.xlane v3, v0;
	_ =	sdelay $0x1  }
0x2a: {  	v4 =	vadd.s32 v1, v4;
	_ =	sdelay $0x3  }
0x2b: {  	v3 =	vperm.xlane v3, v2  }
0x2c: {  	[tilespmem:s24], [sflag:$0x1] =	stream.indirect_vreg.gather [hbm4b:s3+s2], $0x80, v4, vm0, $0xb8;
	[tilespmem:$0x18800] =	vst v63  }
0x2d: {  	s8 =	simm.s32 $0x1000;
	v3 =	vadd.s32 v1, v3  }
0x2e: {  	[tilespmem:s8], [sflag:$0x1] =	stream.indirect_vreg.gather [hbm4b:s4+s2], $0x80, v4, vm0, $0xb8;
	[tilespmem:$0x18800] =	vst v63  }
0x2f: {  	s9 =	simm.s32 $0x1800  }
0x30: {  	[tilespmem:s9], [sflag:$0x1] =	stream.indirect_vreg.gather [hbm4b:s7+s2], $0x80, v4, vm0, $0xb8;
	[tilespmem:$0x18800] =	vst v63  }
0x31: {  	s10 =	simm.s32 $0x2000  }
0x32: {  	[tilespmem:s10], [sflag:$0x1] =	stream.indirect_vreg.gather [hbm4b:s3+s2], $0x80, v3, vm0, $0xb8;
	[tilespmem:$0x18800] =	vst v63  }
0x33: {  	s11 =	simm.s32 $0x2800  }
0x34: {  	[tilespmem:s11], [sflag:$0x1] =	stream.indirect_vreg.gather [hbm4b:s4+s2], $0x80, v3, vm0, $0xb8;
	[tilespmem:$0x18800] =	vst v63  }
0x35: {  	s12 =	simm.s32 $0x3000  }
0x36: {  	[tilespmem:s12], [sflag:$0x1] =	stream.indirect_vreg.gather [hbm4b:s7+s2], $0x80, v3, vm0, $0xb8;
	[tilespmem:$0x18800] =	vst v63  }
0x37: {  	v3 =	vld [tilespmem:$0x10];
	_ =	sdelay $0x4  }
0x38: {  	v29 =	vshrl.u32 v3, $0x3  }
0x39: {  	v4 =	vmul.u32 $0x30, v29  }
0x3a: {  	v3 =	vand.u32 $0x7, v3  }
0x3b: {  	v3 =	vor.u32 v3, v4  }
0x3c: {  	v4 =	vperm.xlane v3, v0;
	_ =	sdelay $0x1  }
0x3d: {  	v4 =	vadd.s32 v1, v4;
	_ =	sdelay $0x3  }
0x3e: {  	s13 =	simm.s32 $0x3800;
	v3 =	vperm.xlane v3, v2  }
0x3f: {  	[tilespmem:s13], [sflag:$0x1] =	stream.indirect_vreg.gather [hbm4b:s3+s2], $0x80, v4, vm0, $0xb8;
	[tilespmem:$0x18800] =	vst v63  }
0x40: {  	s14 =	simm.s32 $0x4000;
	v3 =	vadd.s32 v1, v3  }
0x41: {  	[tilespmem:s14], [sflag:$0x1] =	stream.indirect_vreg.gather [hbm4b:s4+s2], $0x80, v4, vm0, $0xb8;
	[tilespmem:$0x18800] =	vst v63  }
0x42: {  	s15 =	simm.s32 $0x4800  }
0x43: {  	[tilespmem:s15], [sflag:$0x1] =	stream.indirect_vreg.gather [hbm4b:s7+s2], $0x80, v4, vm0, $0xb8;
	[tilespmem:$0x18800] =	vst v63  }
0x44: {  	s16 =	simm.s32 $0x5000  }
0x45: {  	[tilespmem:s16], [sflag:$0x1] =	stream.indirect_vreg.gather [hbm4b:s3+s2], $0x80, v3, vm0, $0xb8;
	[tilespmem:$0x18800] =	vst v63  }
0x46: {  	s17 =	simm.s32 $0x5800  }
0x47: {  	[tilespmem:s17], [sflag:$0x1] =	stream.indirect_vreg.gather [hbm4b:s4+s2], $0x80, v3, vm0, $0xb8;
	[tilespmem:$0x18800] =	vst v63  }
0x48: {  	s19 =	simm.s32 $0x6000  }
0x49: {  	[tilespmem:s19], [sflag:$0x1] =	stream.indirect_vreg.gather [hbm4b:s7+s2], $0x80, v3, vm0, $0xb8;
	[tilespmem:$0x18800] =	vst v63  }
0x4a: {  	v3 =	vld [tilespmem:$0x20];
	_ =	sdelay $0x4  }
0x4b: {  	v30 =	vshrl.u32 v3, $0x3  }
0x4c: {  	v4 =	vmul.u32 $0x30, v30  }
0x4d: {  	v3 =	vand.u32 $0x7, v3  }
0x4e: {  	v3 =	vor.u32 v3, v4  }
0x4f: {  	v4 =	vperm.xlane v3, v0;
	_ =	sdelay $0x1  }
0x50: {  	v4 =	vadd.s32 v1, v4;
	_ =	sdelay $0x3  }
0x51: {  	s22 =	simm.s32 $0x6800;
	v3 =	vperm.xlane v3, v2  }
0x52: {  	[tilespmem:s22], [sflag:$0x1] =	stream.indirect_vreg.gather [hbm4b:s3+s2], $0x80, v4, vm0, $0xb8;
	[tilespmem:$0x18800] =	vst v63  }
0x53: {  	s23 =	simm.s32 $0x7000;
	v3 =	vadd.s32 v1, v3  }
0x54: {  	[tilespmem:s23], [sflag:$0x1] =	stream.indirect_vreg.gather [hbm4b:s4+s2], $0x80, v4, vm0, $0xb8;
	[tilespmem:$0x18800] =	vst v63  }
0x55: {  	s25 =	simm.s32 $0x7800  }
0x56: {  	[tilespmem:s25], [sflag:$0x1] =	stream.indirect_vreg.gather [hbm4b:s7+s2], $0x80, v4, vm0, $0xb8;
	[tilespmem:$0x18800] =	vst v63  }
0x57: {  	s30 =	simm.s32 $0x8000  }
0x58: {  	[tilespmem:s30], [sflag:$0x1] =	stream.indirect_vreg.gather [hbm4b:s3+s2], $0x80, v3, vm0, $0xb8;
	[tilespmem:$0x18800] =	vst v63  }
0x59: {  	s31 =	simm.s32 $0x8800  }
0x5a: {  	[tilespmem:s31], [sflag:$0x1] =	stream.indirect_vreg.gather [hbm4b:s4+s2], $0x80, v3, vm0, $0xb8;
	[tilespmem:$0x18800] =	vst v63  }
0x5b: {  	s8 =	simm.s32 $0x9000  }
0x5c: {  	[tilespmem:s8], [sflag:$0x1] =	stream.indirect_vreg.gather [hbm4b:s7+s2], $0x80, v3, vm0, $0xb8;
	[tilespmem:$0x18800] =	vst v63  }
0x5d: {  	v3 =	vld [tilespmem:$0x30];
	_ =	sdelay $0x4  }
0x5e: {  	v31 =	vshrl.u32 v3, $0x3  }
0x5f: {  	v4 =	vmul.u32 $0x30, v31  }
0x60: {  	v3 =	vand.u32 $0x7, v3  }
0x61: {  	v3 =	vor.u32 v3, v4  }
0x62: {  	v4 =	vperm.xlane v3, v0;
	_ =	sdelay $0x1  }
0x63: {  	v4 =	vadd.s32 v1, v4;
	_ =	sdelay $0x3  }
0x64: {  	s9 =	simm.s32 $0x9800;
	v3 =	vperm.xlane v3, v2  }
0x65: {  	[tilespmem:s9], [sflag:$0x1] =	stream.indirect_vreg.gather [hbm4b:s3+s2], $0x80, v4, vm0, $0xb8;
	[tilespmem:$0x18800] =	vst v63  }
0x66: {  	s12 =	simm.s32 $0xA000;
	v3 =	vadd.s32 v1, v3  }
0x67: {  	[tilespmem:s12], [sflag:$0x1] =	stream.indirect_vreg.gather [hbm4b:s4+s2], $0x80, v4, vm0, $0xb8;
	[tilespmem:$0x18800] =	vst v63  }
0x68: {  	s13 =	simm.s32 $0xA800  }
0x69: {  	[tilespmem:s13], [sflag:$0x1] =	stream.indirect_vreg.gather [hbm4b:s7+s2], $0x80, v4, vm0, $0xb8;
	[tilespmem:$0x18800] =	vst v63  }
0x6a: {  	s16 =	simm.s32 $0xB000  }
0x6b: {  	[tilespmem:s16], [sflag:$0x1] =	stream.indirect_vreg.gather [hbm4b:s3+s2], $0x80, v3, vm0, $0xb8;
	[tilespmem:$0x18800] =	vst v63  }
0x6c: {  	s17 =	simm.s32 $0xB800  }
0x6d: {  	[tilespmem:s17], [sflag:$0x1] =	stream.indirect_vreg.gather [hbm4b:s4+s2], $0x80, v3, vm0, $0xb8;
	[tilespmem:$0x18800] =	vst v63  }
0x6e: {  	s19 =	simm.s32 $0xC000  }
0x6f: {  	[tilespmem:s19], [sflag:$0x1] =	stream.indirect_vreg.gather [hbm4b:s7+s2], $0x80, v3, vm0, $0xb8;
	[tilespmem:$0x18800] =	vst v63  }
0x70: {  	v3 =	vld [tilespmem:$0x80];
	_ =	sdelay $0x4  }
0x71: {  	v32 =	vshrl.u32 v3, $0x3  }
0x72: {  	v4 =	vmul.u32 $0x30, v32  }
0x73: {  	v3 =	vand.u32 $0x7, v3  }
0x74: {  	v3 =	vor.u32 v3, v4  }
0x75: {  	v4 =	vperm.xlane v3, v0;
	_ =	sdelay $0x1  }
0x76: {  	v4 =	vadd.s32 v1, v4;
	_ =	sdelay $0x3  }
0x77: {  	v3 =	vperm.xlane v3, v2  }
0x78: {  	[tilespmem:s26], [sflag:$0x2] =	stream.indirect_vreg.gather [hbm4b:s3+s2], $0x80, v4, vm0, $0xb8;
	[tilespmem:$0x18800] =	vst v63  }
0x79: {  	s22 =	simm.s32 $0xD000;
	v3 =	vadd.s32 v1, v3  }
0x7a: {  	[tilespmem:s22], [sflag:$0x2] =	stream.indirect_vreg.gather [hbm4b:s4+s2], $0x80, v4, vm0, $0xb8;
	[tilespmem:$0x18800] =	vst v63  }
0x7b: {  	s23 =	simm.s32 $0xD800  }
0x7c: {  	[tilespmem:s23], [sflag:$0x2] =	stream.indirect_vreg.gather [hbm4b:s7+s2], $0x80, v4, vm0, $0xb8;
	[tilespmem:$0x18800] =	vst v63  }
0x7d: {  	s25 =	simm.s32 $0xE000  }
0x7e: {  	[tilespmem:s25], [sflag:$0x2] =	stream.indirect_vreg.gather [hbm4b:s3+s2], $0x80, v3, vm0, $0xb8;
	[tilespmem:$0x18800] =	vst v63  }
0x7f: {  	s26 =	simm.s32 $0xE800  }
0x80: {  	[tilespmem:s26], [sflag:$0x2] =	stream.indirect_vreg.gather [hbm4b:s4+s2], $0x80, v3, vm0, $0xb8;
	[tilespmem:$0x18800] =	vst v63  }
0x81: {  	s30 =	simm.s32 $0xF000  }
0x82: {  	[tilespmem:s30], [sflag:$0x2] =	stream.indirect_vreg.gather [hbm4b:s7+s2], $0x80, v3, vm0, $0xb8;
	[tilespmem:$0x18800] =	vst v63  }
0x83: {  	v3 =	vld [tilespmem:$0x90];
	_ =	sdelay $0x4  }
0x84: {  	v33 =	vshrl.u32 v3, $0x3  }
0x85: {  	v4 =	vmul.u32 $0x30, v33  }
0x86: {  	v3 =	vand.u32 $0x7, v3  }
0x87: {  	v3 =	vor.u32 v3, v4  }
0x88: {  	v4 =	vperm.xlane v3, v0;
	_ =	sdelay $0x1  }
0x89: {  	v4 =	vadd.s32 v1, v4;
	_ =	sdelay $0x3  }
0x8a: {  	s31 =	simm.s32 $0xF800;
	v3 =	vperm.xlane v3, v2  }
0x8b: {  	[tilespmem:s31], [sflag:$0x2] =	stream.indirect_vreg.gather [hbm4b:s3+s2], $0x80, v4, vm0, $0xb8;
	[tilespmem:$0x18800] =	vst v63  }
0x8c: {  	s8 =	simm.s32 $0x10000;
	v3 =	vadd.s32 v1, v3  }
0x8d: {  	[tilespmem:s8], [sflag:$0x2] =	stream.indirect_vreg.gather [hbm4b:s4+s2], $0x80, v4, vm0, $0xb8;
	[tilespmem:$0x18800] =	vst v63  }
0x8e: {  	s9 =	simm.s32 $0x10800  }
0x8f: {  	[tilespmem:s9], [sflag:$0x2] =	stream.indirect_vreg.gather [hbm4b:s7+s2], $0x80, v4, vm0, $0xb8;
	[tilespmem:$0x18800] =	vst v63  }
0x90: {  	s12 =	simm.s32 $0x11000  }
0x91: {  	[tilespmem:s12], [sflag:$0x2] =	stream.indirect_vreg.gather [hbm4b:s3+s2], $0x80, v3, vm0, $0xb8;
	[tilespmem:$0x18800] =	vst v63  }
0x92: {  	s13 =	simm.s32 $0x11800  }
0x93: {  	[tilespmem:s13], [sflag:$0x2] =	stream.indirect_vreg.gather [hbm4b:s4+s2], $0x80, v3, vm0, $0xb8;
	[tilespmem:$0x18800] =	vst v63  }
0x94: {  	s16 =	simm.s32 $0x12000  }
0x95: {  	[tilespmem:s16], [sflag:$0x2] =	stream.indirect_vreg.gather [hbm4b:s7+s2], $0x80, v3, vm0, $0xb8;
	[tilespmem:$0x18800] =	vst v63  }
0x96: {  	v3 =	vld [tilespmem:$0xA0];
	_ =	sdelay $0x4  }
0x97: {  	v34 =	vshrl.u32 v3, $0x3  }
0x98: {  	v4 =	vmul.u32 $0x30, v34  }
0x99: {  	v3 =	vand.u32 $0x7, v3  }
0x9a: {  	v3 =	vor.u32 v3, v4  }
0x9b: {  	v4 =	vperm.xlane v3, v0;
	_ =	sdelay $0x1  }
0x9c: {  	v4 =	vadd.s32 v1, v4;
	_ =	sdelay $0x3  }
0x9d: {  	s19 =	simm.s32 $0x12800;
	v3 =	vperm.xlane v3, v2  }
0x9e: {  	[tilespmem:s19], [sflag:$0x2] =	stream.indirect_vreg.gather [hbm4b:s3+s2], $0x80, v4, vm0, $0xb8;
	[tilespmem:$0x18800] =	vst v63  }
0x9f: {  	s22 =	simm.s32 $0x13000;
	v3 =	vadd.s32 v1, v3  }
0xa0: {  	[tilespmem:s22], [sflag:$0x2] =	stream.indirect_vreg.gather [hbm4b:s4+s2], $0x80, v4, vm0, $0xb8;
	[tilespmem:$0x18800] =	vst v63  }
0xa1: {  	s23 =	simm.s32 $0x13800  }
0xa2: {  	[tilespmem:s23], [sflag:$0x2] =	stream.indirect_vreg.gather [hbm4b:s7+s2], $0x80, v4, vm0, $0xb8;
	[tilespmem:$0x18800] =	vst v63  }
0xa3: {  	s25 =	simm.s32 $0x14000  }
0xa4: {  	[tilespmem:s25], [sflag:$0x2] =	stream.indirect_vreg.gather [hbm4b:s3+s2], $0x80, v3, vm0, $0xb8;
	[tilespmem:$0x18800] =	vst v63  }
0xa5: {  	s26 =	simm.s32 $0x14800  }
0xa6: {  	[tilespmem:s26], [sflag:$0x2] =	stream.indirect_vreg.gather [hbm4b:s4+s2], $0x80, v3, vm0, $0xb8;
	[tilespmem:$0x18800] =	vst v63  }
0xa7: {  	s8 =	simm.s32 $0x15000  }
0xa8: {  	[tilespmem:s8], [sflag:$0x2] =	stream.indirect_vreg.gather [hbm4b:s7+s2], $0x80, v3, vm0, $0xb8;
	[tilespmem:$0x18800] =	vst v63  }
0xa9: {  	v3 =	vld [tilespmem:$0xB0];
	_ =	sdelay $0x4  }
0xaa: {  	v35 =	vshrl.u32 v3, $0x3  }
0xab: {  	v4 =	vmul.u32 $0x30, v35  }
0xac: {  	v3 =	vand.u32 $0x7, v3  }
0xad: {  	v3 =	vor.u32 v3, v4  }
0xae: {  	v4 =	vperm.xlane v3, v0;
	_ =	sdelay $0x1  }
0xaf: {  	v4 =	vadd.s32 v1, v4;
	_ =	sdelay $0x3  }
0xb0: {  	s29 =	simm.s32 $0x15800;
	v3 =	vperm.xlane v3, v2  }
0xb1: {  	[tilespmem:s29], [sflag:$0x2] =	stream.indirect_vreg.gather [hbm4b:s3+s2], $0x80, v4, vm0, $0xb8;
	[tilespmem:$0x18800] =	vst v63  }
0xb2: {  	s9 =	simm.s32 $0x16000;
	v3 =	vadd.s32 v1, v3  }
0xb3: {  	[tilespmem:s9], [sflag:$0x2] =	stream.indirect_vreg.gather [hbm4b:s4+s2], $0x80, v4, vm0, $0xb8;
	[tilespmem:$0x18800] =	vst v63  }
0xb4: {  	s12 =	simm.s32 $0x16800  }
0xb5: {  	[tilespmem:s12], [sflag:$0x2] =	stream.indirect_vreg.gather [hbm4b:s7+s2], $0x80, v4, vm0, $0xb8;
	[tilespmem:$0x18800] =	vst v63  }
0xb6: {  	s13 =	simm.s32 $0x17000  }
0xb7: {  	[tilespmem:s13], [sflag:$0x2] =	stream.indirect_vreg.gather [hbm4b:s3+s2], $0x80, v3, vm0, $0xb8;
	[tilespmem:$0x18800] =	vst v63  }
0xb8: {  	s16 =	simm.s32 $0x17800  }
0xb9: {  	[tilespmem:s16], [sflag:$0x2] =	stream.indirect_vreg.gather [hbm4b:s4+s2], $0x80, v3, vm0, $0xb8;
	[tilespmem:$0x18800] =	vst v63  }
0xba: {  	s19 =	simm.s32 $0x18000  }
0xbb: {  	[tilespmem:s19], [sflag:$0x2] =	stream.indirect_vreg.gather [hbm4b:s7+s2], $0x80, v3, vm0, $0xb8;
	[tilespmem:$0x18800] =	vst v63  }
0xbc: {  	_ =	swait.ge [sflag:s18], $0xC000  }
0xbd: {  	[sflag:s18] =	ssyncset.done $0x0  }
0xbe: {  	s22 =	rddreg [dreg:$0x3];
	[sflag:s18] =	ssyncadd.s32 $0xFFFF4000  }
0xbf: {  	[hbm4b:s22+s2] =	stream.linear.scatter [tilespmem:s24], [sflag:$0x3], $0xC000, $0x38;
	[tilespmem:$0x18800] =	vst v63  }
0xc0: {  	_ =	swait.ge [sflag:s20], $0xC000  }
0xc1: {  	[sflag:s20] =	ssyncset.done $0x0  }
0xc2: {  	[sflag:s20] =	ssyncadd.s32 $0xFFFF4000  }
0xc3: {  	v3 =	vld [tilespmem:$0x100];
	_ =	sdelay $0x4  }
0xc4: {  	v36 =	vshrl.u32 v3, $0x3  }
0xc5: {  	v4 =	vmul.u32 $0x30, v36  }
0xc6: {  	v3 =	vand.u32 $0x7, v3  }
0xc7: {  	v3 =	vor.u32 v3, v4  }
0xc8: {  	v4 =	vperm.xlane v3, v0;
	_ =	sdelay $0x1  }
0xc9: {  	v4 =	vadd.s32 v1, v4;
	_ =	sdelay $0x3  }
0xca: {  	v3 =	vperm.xlane v3, v2  }
0xcb: {  	[tilespmem:s24], [sflag:$0x1] =	stream.indirect_vreg.gather [hbm4b:s3+s2], $0x80, v4, vm0, $0xb8;
	[tilespmem:$0x18800] =	vst v63  }
0xcc: {  	s19 =	simm.s32 $0x1000;
	v3 =	vadd.s32 v1, v3  }
0xcd: {  	[tilespmem:s19], [sflag:$0x1] =	stream.indirect_vreg.gather [hbm4b:s4+s2], $0x80, v4, vm0, $0xb8;
	[tilespmem:$0x18800] =	vst v63  }
0xce: {  	s1 =	simm.s32 $0x1800  }
0xcf: {  	[tilespmem:s1], [sflag:$0x1] =	stream.indirect_vreg.gather [hbm4b:s7+s2], $0x80, v4, vm0, $0xb8;
	[tilespmem:$0x18800] =	vst v63  }
0xd0: {  	s24 =	simm.s32 $0x2000  }
0xd1: {  	[tilespmem:s24], [sflag:$0x1] =	stream.indirect_vreg.gather [hbm4b:s3+s2], $0x80, v3, vm0, $0xb8;
	[tilespmem:$0x18800] =	vst v63  }
0xd2: {  	s1 =	simm.s32 $0x2800  }
0xd3: {  	[tilespmem:s1], [sflag:$0x1] =	stream.indirect_vreg.gather [hbm4b:s4+s2], $0x80, v3, vm0, $0xb8;
	[tilespmem:$0x18800] =	vst v63  }
0xd4: {  	s5 =	simm.s32 $0x3000  }
0xd5: {  	[tilespmem:s5], [sflag:$0x1] =	stream.indirect_vreg.gather [hbm4b:s7+s2], $0x80, v3, vm0, $0xb8;
	[tilespmem:$0x18800] =	vst v63  }
0xd6: {  	v3 =	vld [tilespmem:$0x110];
	_ =	sdelay $0x4  }
0xd7: {  	v37 =	vshrl.u32 v3, $0x3  }
0xd8: {  	v4 =	vmul.u32 $0x30, v37  }
0xd9: {  	v3 =	vand.u32 $0x7, v3  }
0xda: {  	v3 =	vor.u32 v3, v4  }
0xdb: {  	v4 =	vperm.xlane v3, v0;
	_ =	sdelay $0x1  }
0xdc: {  	v4 =	vadd.s32 v1, v4;
	_ =	sdelay $0x3  }
0xdd: {  	s6 =	simm.s32 $0x3800;
	v3 =	vperm.xlane v3, v2  }
0xde: {  	[tilespmem:s6], [sflag:$0x1] =	stream.indirect_vreg.gather [hbm4b:s3+s2], $0x80, v4, vm0, $0xb8;
	[tilespmem:$0x18800] =	vst v63  }
0xdf: {  	s5 =	simm.s32 $0x4000;
	v3 =	vadd.s32 v1, v3  }
0xe0: {  	[tilespmem:s5], [sflag:$0x1] =	stream.indirect_vreg.gather [hbm4b:s4+s2], $0x80, v4, vm0, $0xb8;
	[tilespmem:$0x18800] =	vst v63  }
0xe1: {  	s6 =	simm.s32 $0x4800  }
0xe2: {  	[tilespmem:s6], [sflag:$0x1] =	stream.indirect_vreg.gather [hbm4b:s7+s2], $0x80, v4, vm0, $0xb8;
	[tilespmem:$0x18800] =	vst v63  }
0xe3: {  	s8 =	simm.s32 $0x5000  }
0xe4: {  	[tilespmem:s8], [sflag:$0x1] =	stream.indirect_vreg.gather [hbm4b:s3+s2], $0x80, v3, vm0, $0xb8;
	[tilespmem:$0x18800] =	vst v63  }
0xe5: {  	s9 =	simm.s32 $0x5800  }
0xe6: {  	[tilespmem:s9], [sflag:$0x1] =	stream.indirect_vreg.gather [hbm4b:s4+s2], $0x80, v3, vm0, $0xb8;
	[tilespmem:$0x18800] =	vst v63  }
0xe7: {  	s10 =	simm.s32 $0x6000  }
0xe8: {  	[tilespmem:s10], [sflag:$0x1] =	stream.indirect_vreg.gather [hbm4b:s7+s2], $0x80, v3, vm0, $0xb8;
	[tilespmem:$0x18800] =	vst v63  }
0xe9: {  	v3 =	vld [tilespmem:$0x120];
	_ =	sdelay $0x4  }
0xea: {  	v38 =	vshrl.u32 v3, $0x3  }
0xeb: {  	v4 =	vmul.u32 $0x30, v38  }
0xec: {  	v3 =	vand.u32 $0x7, v3  }
0xed: {  	v3 =	vor.u32 v3, v4  }
0xee: {  	v4 =	vperm.xlane v3, v0;
	_ =	sdelay $0x1  }
0xef: {  	v4 =	vadd.s32 v1, v4;
	_ =	sdelay $0x3  }
0xf0: {  	s11 =	simm.s32 $0x6800;
	v3 =	vperm.xlane v3, v2  }
0xf1: {  	[tilespmem:s11], [sflag:$0x1] =	stream.indirect_vreg.gather [hbm4b:s3+s2], $0x80, v4, vm0, $0xb8;
	[tilespmem:$0x18800] =	vst v63  }
0xf2: {  	s10 =	simm.s32 $0x7000;
	v3 =	vadd.s32 v1, v3  }
0xf3: {  	[tilespmem:s10], [sflag:$0x1] =	stream.indirect_vreg.gather [hbm4b:s4+s2], $0x80, v4, vm0, $0xb8;
	[tilespmem:$0x18800] =	vst v63  }
0xf4: {  	s11 =	simm.s32 $0x7800  }
0xf5: {  	[tilespmem:s11], [sflag:$0x1] =	stream.indirect_vreg.gather [hbm4b:s7+s2], $0x80, v4, vm0, $0xb8;
	[tilespmem:$0x18800] =	vst v63  }
0xf6: {  	s12 =	simm.s32 $0x8000  }
0xf7: {  	[tilespmem:s12], [sflag:$0x1] =	stream.indirect_vreg.gather [hbm4b:s3+s2], $0x80, v3, vm0, $0xb8;
	[tilespmem:$0x18800] =	vst v63  }
0xf8: {  	s13 =	simm.s32 $0x8800  }
0xf9: {  	[tilespmem:s13], [sflag:$0x1] =	stream.indirect_vreg.gather [hbm4b:s4+s2], $0x80, v3, vm0, $0xb8;
	[tilespmem:$0x18800] =	vst v63  }
0xfa: {  	s14 =	simm.s32 $0x9000  }
0xfb: {  	[tilespmem:s14], [sflag:$0x1] =	stream.indirect_vreg.gather [hbm4b:s7+s2], $0x80, v3, vm0, $0xb8;
	[tilespmem:$0x18800] =	vst v63  }
0xfc: {  	v3 =	vld [tilespmem:$0x130];
	_ =	sdelay $0x4  }
0xfd: {  	v39 =	vshrl.u32 v3, $0x3  }
0xfe: {  	v4 =	vmul.u32 $0x30, v39  }
0xff: {  	v3 =	vand.u32 $0x7, v3  }
0x100: {  	v3 =	vor.u32 v3, v4  }
0x101: {  	v4 =	vperm.xlane v3, v0;
	_ =	sdelay $0x1  }
0x102: {  	v4 =	vadd.s32 v1, v4;
	_ =	sdelay $0x3  }
0x103: {  	s15 =	simm.s32 $0x9800;
	v3 =	vperm.xlane v3, v2  }
0x104: {  	[tilespmem:s15], [sflag:$0x1] =	stream.indirect_vreg.gather [hbm4b:s3+s2], $0x80, v4, vm0, $0xb8;
	[tilespmem:$0x18800] =	vst v63  }
0x105: {  	s14 =	simm.s32 $0xA000;
	v3 =	vadd.s32 v1, v3  }
0x106: {  	[tilespmem:s14], [sflag:$0x1] =	stream.indirect_vreg.gather [hbm4b:s4+s2], $0x80, v4, vm0, $0xb8;
	[tilespmem:$0x18800] =	vst v63  }
0x107: {  	s15 =	simm.s32 $0xA800  }
0x108: {  	[tilespmem:s15], [sflag:$0x1] =	stream.indirect_vreg.gather [hbm4b:s7+s2], $0x80, v4, vm0, $0xb8;
	[tilespmem:$0x18800] =	vst v63  }
0x109: {  	s16 =	simm.s32 $0xB000  }
0x10a: {  	[tilespmem:s16], [sflag:$0x1] =	stream.indirect_vreg.gather [hbm4b:s3+s2], $0x80, v3, vm0, $0xb8;
	[tilespmem:$0x18800] =	vst v63  }
0x10b: {  	s22 =	simm.s32 $0xB800  }
0x10c: {  	[tilespmem:s22], [sflag:$0x1] =	stream.indirect_vreg.gather [hbm4b:s4+s2], $0x80, v3, vm0, $0xb8;
	[tilespmem:$0x18800] =	vst v63  }
0x10d: {  	s17 =	simm.s32 $0xC000  }
0x10e: {  	[tilespmem:s17], [sflag:$0x1] =	stream.indirect_vreg.gather [hbm4b:s7+s2], $0x80, v3, vm0, $0xb8;
	[tilespmem:$0x18800] =	vst v63  }
0x10f: {  	_ =	swait.ge [sflag:s21], $0xC000  }
0x110: {  	s26 =	simm.s32 $0xC800;
	[sflag:s21] =	ssyncset.done $0x0  }
0x111: {  	s17 =	simm.s32 $0x4;
	s25 =	rddreg [dreg:$0x5];
	[sflag:s21] =	ssyncadd.s32 $0xFFFF4000  }
0x112: {  	[hbm4b:s25+s2] =	stream.linear.scatter [tilespmem:s26], [sflag:$0x4], $0xC000, $0x38;
	[tilespmem:$0x18800] =	vst v63  }
0x113: {  	_ =	swait.ge [sflag:s17], $0xC000  }
0x114: {  	[sflag:s17] =	ssyncset.done $0x0  }
0x115: {  	[sflag:s17] =	ssyncadd.s32 $0xFFFF4000  }
0x116: {  	v3 =	vld [tilespmem:$0x180];
	_ =	sdelay $0x4  }
0x117: {  	v40 =	vshrl.u32 v3, $0x3  }
0x118: {  	v4 =	vmul.u32 $0x30, v40  }
0x119: {  	v3 =	vand.u32 $0x7, v3  }
0x11a: {  	v3 =	vor.u32 v3, v4  }
0x11b: {  	v4 =	vperm.xlane v3, v0;
	_ =	sdelay $0x1  }
0x11c: {  	v4 =	vadd.s32 v1, v4;
	_ =	sdelay $0x3  }
0x11d: {  	v3 =	vperm.xlane v3, v2  }
0x11e: {  	[tilespmem:s26], [sflag:$0x2] =	stream.indirect_vreg.gather [hbm4b:s3+s2], $0x80, v4, vm0, $0xb8;
	[tilespmem:$0x18800] =	vst v63  }
0x11f: {  	s25 =	simm.s32 $0xD000;
	v3 =	vadd.s32 v1, v3  }
0x120: {  	[tilespmem:s25], [sflag:$0x2] =	stream.indirect_vreg.gather [hbm4b:s4+s2], $0x80, v4, vm0, $0xb8;
	[tilespmem:$0x18800] =	vst v63  }
0x121: {  	s23 =	simm.s32 $0xD800  }
0x122: {  	[tilespmem:s23], [sflag:$0x2] =	stream.indirect_vreg.gather [hbm4b:s7+s2], $0x80, v4, vm0, $0xb8;
	[tilespmem:$0x18800] =	vst v63  }
0x123: {  	s23 =	simm.s32 $0xE000  }
0x124: {  	[tilespmem:s23], [sflag:$0x2] =	stream.indirect_vreg.gather [hbm4b:s3+s2], $0x80, v3, vm0, $0xb8;
	[tilespmem:$0x18800] =	vst v63  }
0x125: {  	s23 =	simm.s32 $0xE800  }
0x126: {  	[tilespmem:s23], [sflag:$0x2] =	stream.indirect_vreg.gather [hbm4b:s4+s2], $0x80, v3, vm0, $0xb8;
	[tilespmem:$0x18800] =	vst v63  }
0x127: {  	s28 =	simm.s32 $0xF000  }
0x128: {  	[tilespmem:s28], [sflag:$0x2] =	stream.indirect_vreg.gather [hbm4b:s7+s2], $0x80, v3, vm0, $0xb8;
	[tilespmem:$0x18800] =	vst v63  }
0x129: {  	v3 =	vld [tilespmem:$0x190];
	_ =	sdelay $0x4  }
0x12a: {  	v41 =	vshrl.u32 v3, $0x3  }
0x12b: {  	v4 =	vmul.u32 $0x30, v41  }
0x12c: {  	v3 =	vand.u32 $0x7, v3  }
0x12d: {  	v3 =	vor.u32 v3, v4  }
0x12e: {  	v4 =	vperm.xlane v3, v0;
	_ =	sdelay $0x1  }
0x12f: {  	v4 =	vadd.s32 v1, v4;
	_ =	sdelay $0x3  }
0x130: {  	s30 =	simm.s32 $0xF800;
	v3 =	vperm.xlane v3, v2  }
0x131: {  	[tilespmem:s30], [sflag:$0x2] =	stream.indirect_vreg.gather [hbm4b:s3+s2], $0x80, v4, vm0, $0xb8;
	[tilespmem:$0x18800] =	vst v63  }
0x132: {  	v3 =	vadd.s32 v1, v3;
	s30 =	simm.s32 $0x10000  }
0x133: {  	[tilespmem:s30], [sflag:$0x2] =	stream.indirect_vreg.gather [hbm4b:s4+s2], $0x80, v4, vm0, $0xb8;
	[tilespmem:$0x18800] =	vst v63  }
0x134: {  	s30 =	simm.s32 $0x10800  }
0x135: {  	[tilespmem:s30], [sflag:$0x2] =	stream.indirect_vreg.gather [hbm4b:s7+s2], $0x80, v4, vm0, $0xb8;
	[tilespmem:$0x18800] =	vst v63  }
0x136: {  	s30 =	simm.s32 $0x11000  }
0x137: {  	[tilespmem:s30], [sflag:$0x2] =	stream.indirect_vreg.gather [hbm4b:s3+s2], $0x80, v3, vm0, $0xb8;
	[tilespmem:$0x18800] =	vst v63  }
0x138: {  	s30 =	simm.s32 $0x11800  }
0x139: {  	[tilespmem:s30], [sflag:$0x2] =	stream.indirect_vreg.gather [hbm4b:s4+s2], $0x80, v3, vm0, $0xb8;
	[tilespmem:$0x18800] =	vst v63  }
0x13a: {  	s31 =	simm.s32 $0x12000  }
0x13b: {  	[tilespmem:s31], [sflag:$0x2] =	stream.indirect_vreg.gather [hbm4b:s7+s2], $0x80, v3, vm0, $0xb8;
	[tilespmem:$0x18800] =	vst v63  }
0x13c: {  	v3 =	vld [tilespmem:$0x1A0];
	_ =	sdelay $0x4  }
0x13d: {  	v42 =	vshrl.u32 v3, $0x3  }
0x13e: {  	v4 =	vmul.u32 $0x30, v42  }
0x13f: {  	v3 =	vand.u32 $0x7, v3  }
0x140: {  	v3 =	vor.u32 v3, v4  }
0x141: {  	v4 =	vperm.xlane v3, v0;
	_ =	sdelay $0x1  }
0x142: {  	v4 =	vadd.s32 v1, v4;
	_ =	sdelay $0x3  }
0x143: {  	s31 =	simm.s32 $0x12800;
	v3 =	vperm.xlane v3, v2  }
0x144: {  	[tilespmem:s31], [sflag:$0x2] =	stream.indirect_vreg.gather [hbm4b:s3+s2], $0x80, v4, vm0, $0xb8;
	[tilespmem:$0x18800] =	vst v63  }
0x145: {  	s30 =	simm.s32 $0x13000;
	v3 =	vadd.s32 v1, v3  }
0x146: {  	[tilespmem:s30], [sflag:$0x2] =	stream.indirect_vreg.gather [hbm4b:s4+s2], $0x80, v4, vm0, $0xb8;
	[tilespmem:$0x18800] =	vst v63  }
0x147: {  	s31 =	simm.s32 $0x13800  }
0x148: {  	[tilespmem:s31], [sflag:$0x2] =	stream.indirect_vreg.gather [hbm4b:s7+s2], $0x80, v4, vm0, $0xb8;
	[tilespmem:$0x18800] =	vst v63  }
0x149: {  	s30 =	simm.s32 $0x14000  }
0x14a: {  	[tilespmem:s30], [sflag:$0x2] =	stream.indirect_vreg.gather [hbm4b:s3+s2], $0x80, v3, vm0, $0xb8;
	[tilespmem:$0x18800] =	vst v63  }
0x14b: {  	s31 =	simm.s32 $0x14800  }
0x14c: {  	[tilespmem:s31], [sflag:$0x2] =	stream.indirect_vreg.gather [hbm4b:s4+s2], $0x80, v3, vm0, $0xb8;
	[tilespmem:$0x18800] =	vst v63  }
0x14d: {  	s30 =	simm.s32 $0x15000  }
0x14e: {  	[tilespmem:s30], [sflag:$0x2] =	stream.indirect_vreg.gather [hbm4b:s7+s2], $0x80, v3, vm0, $0xb8;
	[tilespmem:$0x18800] =	vst v63  }
0x14f: {  	v3 =	vld [tilespmem:$0x1B0];
	_ =	sdelay $0x4  }
0x150: {  	v43 =	vshrl.u32 v3, $0x3  }
0x151: {  	v4 =	vmul.u32 $0x30, v43  }
0x152: {  	v3 =	vand.u32 $0x7, v3  }
0x153: {  	v3 =	vor.u32 v3, v4  }
0x154: {  	v4 =	vperm.xlane v3, v0;
	_ =	sdelay $0x1  }
0x155: {  	v4 =	vadd.s32 v1, v4;
	_ =	sdelay $0x3  }
0x156: {  	v3 =	vperm.xlane v3, v2  }
0x157: {  	[tilespmem:s29], [sflag:$0x2] =	stream.indirect_vreg.gather [hbm4b:s3+s2], $0x80, v4, vm0, $0xb8;
	[tilespmem:$0x18800] =	vst v63  }
0x158: {  	v3 =	vadd.s32 v1, v3;
	s29 =	simm.s32 $0x16000  }
0x159: {  	[tilespmem:s29], [sflag:$0x2] =	stream.indirect_vreg.gather [hbm4b:s4+s2], $0x80, v4, vm0, $0xb8;
	[tilespmem:$0x18800] =	vst v63  }
0x15a: {  	s28 =	simm.s32 $0x16800  }
0x15b: {  	[tilespmem:s28], [sflag:$0x2] =	stream.indirect_vreg.gather [hbm4b:s7+s2], $0x80, v4, vm0, $0xb8;
	[tilespmem:$0x18800] =	vst v63  }
0x15c: {  	s31 =	simm.s32 $0x17000  }
0x15d: {  	[tilespmem:s31], [sflag:$0x2] =	stream.indirect_vreg.gather [hbm4b:s3+s2], $0x80, v3, vm0, $0xb8;
	[tilespmem:$0x18800] =	vst v63  }
0x15e: {  	s31 =	simm.s32 $0x17800  }
0x15f: {  	[tilespmem:s31], [sflag:$0x2] =	stream.indirect_vreg.gather [hbm4b:s4+s2], $0x80, v3, vm0, $0xb8;
	[tilespmem:$0x18800] =	vst v63  }
0x160: {  	s30 =	simm.s32 $0x18000  }
0x161: {  	[tilespmem:s30], [sflag:$0x2] =	stream.indirect_vreg.gather [hbm4b:s7+s2], $0x80, v3, vm0, $0xb8;
	[tilespmem:$0x18800] =	vst v63  }
0x162: {  	_ =	swait.ge [sflag:s18], $0xC000  }
0x163: {  	[sflag:s18] =	ssyncset.done $0x0  }
0x164: {  	s0 =	simm.s32 $0x800;
	s23 =	rddreg [dreg:$0x6];
	[sflag:s18] =	ssyncadd.s32 $0xFFFF4000  }
0x165: {  	[hbm4b:s23+s2] =	stream.linear.scatter [tilespmem:s0], [sflag:$0x3], $0xC000, $0x38;
	[tilespmem:$0x18800] =	vst v63  }
0x166: {  	_ =	swait.ge [sflag:s20], $0xC000  }
0x167: {  	[sflag:s20] =	ssyncset.done $0x0  }
0x168: {  	[sflag:s20] =	ssyncadd.s32 $0xFFFF4000  }
0x169: {  	v3 =	vld [tilespmem:$0x200];
	_ =	sdelay $0x4  }
0x16a: {  	v44 =	vshrl.u32 v3, $0x3  }
0x16b: {  	v4 =	vmul.u32 $0x30, v44  }
0x16c: {  	v3 =	vand.u32 $0x7, v3  }
0x16d: {  	v3 =	vor.u32 v3, v4  }
0x16e: {  	v4 =	vperm.xlane v3, v0;
	_ =	sdelay $0x1  }
0x16f: {  	v4 =	vadd.s32 v1, v4;
	_ =	sdelay $0x3  }
0x170: {  	v3 =	vperm.xlane v3, v2  }
0x171: {  	[tilespmem:s0], [sflag:$0x1] =	stream.indirect_vreg.gather [hbm4b:s3+s2], $0x80, v4, vm0, $0xb8;
	[tilespmem:$0x18800] =	vst v63  }
0x172: {  	v3 =	vadd.s32 v1, v3  }
0x173: {  	[tilespmem:s19], [sflag:$0x1] =	stream.indirect_vreg.gather [hbm4b:s4+s2], $0x80, v4, vm0, $0xb8;
	[tilespmem:$0x18800] =	vst v63  }
0x174: {  	s19 =	simm.s32 $0x1800  }
0x175: {  	[tilespmem:s19], [sflag:$0x1] =	stream.indirect_vreg.gather [hbm4b:s7+s2], $0x80, v4, vm0, $0xb8;
	[tilespmem:$0x18800] =	vst v63  }
0x176: {  	_ = 	snop  }
0x177: {  	[tilespmem:s24], [sflag:$0x1] =	stream.indirect_vreg.gather [hbm4b:s3+s2], $0x80, v3, vm0, $0xb8;
	[tilespmem:$0x18800] =	vst v63  }
0x178: {  	_ = 	snop  }
0x179: {  	[tilespmem:s1], [sflag:$0x1] =	stream.indirect_vreg.gather [hbm4b:s4+s2], $0x80, v3, vm0, $0xb8;
	[tilespmem:$0x18800] =	vst v63  }
0x17a: {  	s0 =	simm.s32 $0x3000  }
0x17b: {  	[tilespmem:s0], [sflag:$0x1] =	stream.indirect_vreg.gather [hbm4b:s7+s2], $0x80, v3, vm0, $0xb8;
	[tilespmem:$0x18800] =	vst v63  }
0x17c: {  	v3 =	vld [tilespmem:$0x210];
	_ =	sdelay $0x4  }
0x17d: {  	v45 =	vshrl.u32 v3, $0x3  }
0x17e: {  	v4 =	vmul.u32 $0x30, v45  }
0x17f: {  	v3 =	vand.u32 $0x7, v3  }
0x180: {  	v3 =	vor.u32 v3, v4  }
0x181: {  	v4 =	vperm.xlane v3, v0;
	_ =	sdelay $0x1  }
0x182: {  	v4 =	vadd.s32 v1, v4;
	_ =	sdelay $0x3  }
0x183: {  	s1 =	simm.s32 $0x3800;
	v3 =	vperm.xlane v3, v2  }
0x184: {  	[tilespmem:s1], [sflag:$0x1] =	stream.indirect_vreg.gather [hbm4b:s3+s2], $0x80, v4, vm0, $0xb8;
	[tilespmem:$0x18800] =	vst v63  }
0x185: {  	v3 =	vadd.s32 v1, v3  }
0x186: {  	[tilespmem:s5], [sflag:$0x1] =	stream.indirect_vreg.gather [hbm4b:s4+s2], $0x80, v4, vm0, $0xb8;
	[tilespmem:$0x18800] =	vst v63  }
0x187: {  	_ = 	snop  }
0x188: {  	[tilespmem:s6], [sflag:$0x1] =	stream.indirect_vreg.gather [hbm4b:s7+s2], $0x80, v4, vm0, $0xb8;
	[tilespmem:$0x18800] =	vst v63  }
0x189: {  	_ = 	snop  }
0x18a: {  	[tilespmem:s8], [sflag:$0x1] =	stream.indirect_vreg.gather [hbm4b:s3+s2], $0x80, v3, vm0, $0xb8;
	[tilespmem:$0x18800] =	vst v63  }
0x18b: {  	_ = 	snop  }
0x18c: {  	[tilespmem:s9], [sflag:$0x1] =	stream.indirect_vreg.gather [hbm4b:s4+s2], $0x80, v3, vm0, $0xb8;
	[tilespmem:$0x18800] =	vst v63  }
0x18d: {  	s6 =	simm.s32 $0x6000  }
0x18e: {  	[tilespmem:s6], [sflag:$0x1] =	stream.indirect_vreg.gather [hbm4b:s7+s2], $0x80, v3, vm0, $0xb8;
	[tilespmem:$0x18800] =	vst v63  }
0x18f: {  	v3 =	vld [tilespmem:$0x220];
	_ =	sdelay $0x4  }
0x190: {  	v46 =	vshrl.u32 v3, $0x3  }
0x191: {  	v4 =	vmul.u32 $0x30, v46  }
0x192: {  	v3 =	vand.u32 $0x7, v3  }
0x193: {  	v3 =	vor.u32 v3, v4  }
0x194: {  	v4 =	vperm.xlane v3, v0;
	_ =	sdelay $0x1  }
0x195: {  	v4 =	vadd.s32 v1, v4;
	_ =	sdelay $0x3  }
0x196: {  	s8 =	simm.s32 $0x6800;
	v3 =	vperm.xlane v3, v2  }
0x197: {  	[tilespmem:s8], [sflag:$0x1] =	stream.indirect_vreg.gather [hbm4b:s3+s2], $0x80, v4, vm0, $0xb8;
	[tilespmem:$0x18800] =	vst v63  }
0x198: {  	v3 =	vadd.s32 v1, v3  }
0x199: {  	[tilespmem:s10], [sflag:$0x1] =	stream.indirect_vreg.gather [hbm4b:s4+s2], $0x80, v4, vm0, $0xb8;
	[tilespmem:$0x18800] =	vst v63  }
0x19a: {  	_ = 	snop  }
0x19b: {  	[tilespmem:s11], [sflag:$0x1] =	stream.indirect_vreg.gather [hbm4b:s7+s2], $0x80, v4, vm0, $0xb8;
	[tilespmem:$0x18800] =	vst v63  }
0x19c: {  	_ = 	snop  }
0x19d: {  	[tilespmem:s12], [sflag:$0x1] =	stream.indirect_vreg.gather [hbm4b:s3+s2], $0x80, v3, vm0, $0xb8;
	[tilespmem:$0x18800] =	vst v63  }
0x19e: {  	_ = 	snop  }
0x19f: {  	[tilespmem:s13], [sflag:$0x1] =	stream.indirect_vreg.gather [hbm4b:s4+s2], $0x80, v3, vm0, $0xb8;
	[tilespmem:$0x18800] =	vst v63  }
0x1a0: {  	s9 =	simm.s32 $0x9000  }
0x1a1: {  	[tilespmem:s9], [sflag:$0x1] =	stream.indirect_vreg.gather [hbm4b:s7+s2], $0x80, v3, vm0, $0xb8;
	[tilespmem:$0x18800] =	vst v63  }
0x1a2: {  	v3 =	vld [tilespmem:$0x230];
	_ =	sdelay $0x4  }
0x1a3: {  	v47 =	vshrl.u32 v3, $0x3  }
0x1a4: {  	v4 =	vmul.u32 $0x30, v47  }
0x1a5: {  	v3 =	vand.u32 $0x7, v3  }
0x1a6: {  	v3 =	vor.u32 v3, v4  }
0x1a7: {  	v4 =	vperm.xlane v3, v0;
	_ =	sdelay $0x1  }
0x1a8: {  	v4 =	vadd.s32 v1, v4;
	_ =	sdelay $0x3  }
0x1a9: {  	s10 =	simm.s32 $0x9800;
	v3 =	vperm.xlane v3, v2  }
0x1aa: {  	[tilespmem:s10], [sflag:$0x1] =	stream.indirect_vreg.gather [hbm4b:s3+s2], $0x80, v4, vm0, $0xb8;
	[tilespmem:$0x18800] =	vst v63  }
0x1ab: {  	v3 =	vadd.s32 v1, v3  }
0x1ac: {  	[tilespmem:s14], [sflag:$0x1] =	stream.indirect_vreg.gather [hbm4b:s4+s2], $0x80, v4, vm0, $0xb8;
	[tilespmem:$0x18800] =	vst v63  }
0x1ad: {  	_ = 	snop  }
0x1ae: {  	[tilespmem:s15], [sflag:$0x1] =	stream.indirect_vreg.gather [hbm4b:s7+s2], $0x80, v4, vm0, $0xb8;
	[tilespmem:$0x18800] =	vst v63  }
0x1af: {  	_ = 	snop  }
0x1b0: {  	[tilespmem:s16], [sflag:$0x1] =	stream.indirect_vreg.gather [hbm4b:s3+s2], $0x80, v3, vm0, $0xb8;
	[tilespmem:$0x18800] =	vst v63  }
0x1b1: {  	_ = 	snop  }
0x1b2: {  	[tilespmem:s22], [sflag:$0x1] =	stream.indirect_vreg.gather [hbm4b:s4+s2], $0x80, v3, vm0, $0xb8;
	[tilespmem:$0x18800] =	vst v63  }
0x1b3: {  	s11 =	simm.s32 $0xC000  }
0x1b4: {  	[tilespmem:s11], [sflag:$0x1] =	stream.indirect_vreg.gather [hbm4b:s7+s2], $0x80, v3, vm0, $0xb8;
	[tilespmem:$0x18800] =	vst v63  }
0x1b5: {  	_ =	swait.ge [sflag:s21], $0xC000  }
0x1b6: {  	[sflag:s21] =	ssyncset.done $0x0  }
0x1b7: {  	s12 =	rddreg [dreg:$0x7];
	[sflag:s21] =	ssyncadd.s32 $0xFFFF4000  }
0x1b8: {  	[hbm4b:s12+s2] =	stream.linear.scatter [tilespmem:s26], [sflag:$0x4], $0xC000, $0x38;
	[tilespmem:$0x18800] =	vst v63  }
0x1b9: {  	_ =	swait.ge [sflag:s17], $0xC000  }
0x1ba: {  	[sflag:s17] =	ssyncset.done $0x0  }
0x1bb: {  	[sflag:s17] =	ssyncadd.s32 $0xFFFF4000  }
0x1bc: {  	v3 =	vld [tilespmem:$0x280];
	_ =	sdelay $0x4  }
0x1bd: {  	v48 =	vshrl.u32 v3, $0x3  }
0x1be: {  	v4 =	vmul.u32 $0x30, v48  }
0x1bf: {  	v3 =	vand.u32 $0x7, v3  }
0x1c0: {  	v3 =	vor.u32 v3, v4  }
0x1c1: {  	v4 =	vperm.xlane v3, v0;
	_ =	sdelay $0x1  }
0x1c2: {  	v4 =	vadd.s32 v1, v4;
	_ =	sdelay $0x3  }
0x1c3: {  	v3 =	vperm.xlane v3, v2  }
0x1c4: {  	[tilespmem:s26], [sflag:$0x2] =	stream.indirect_vreg.gather [hbm4b:s3+s2], $0x80, v4, vm0, $0xb8;
	[tilespmem:$0x18800] =	vst v63  }
0x1c5: {  	v3 =	vadd.s32 v1, v3  }
0x1c6: {  	[tilespmem:s25], [sflag:$0x2] =	stream.indirect_vreg.gather [hbm4b:s4+s2], $0x80, v4, vm0, $0xb8;
	[tilespmem:$0x18800] =	vst v63  }
0x1c7: {  	s13 =	simm.s32 $0xD800  }
0x1c8: {  	[tilespmem:s13], [sflag:$0x2] =	stream.indirect_vreg.gather [hbm4b:s7+s2], $0x80, v4, vm0, $0xb8;
	[tilespmem:$0x18800] =	vst v63  }
0x1c9: {  	s16 =	simm.s32 $0xE000  }
0x1ca: {  	[tilespmem:s16], [sflag:$0x2] =	stream.indirect_vreg.gather [hbm4b:s3+s2], $0x80, v3, vm0, $0xb8;
	[tilespmem:$0x18800] =	vst v63  }
0x1cb: {  	s22 =	simm.s32 $0xE800  }
0x1cc: {  	[tilespmem:s22], [sflag:$0x2] =	stream.indirect_vreg.gather [hbm4b:s4+s2], $0x80, v3, vm0, $0xb8;
	[tilespmem:$0x18800] =	vst v63  }
0x1cd: {  	s23 =	simm.s32 $0xF000  }
0x1ce: {  	[tilespmem:s23], [sflag:$0x2] =	stream.indirect_vreg.gather [hbm4b:s7+s2], $0x80, v3, vm0, $0xb8;
	[tilespmem:$0x18800] =	vst v63  }
0x1cf: {  	v3 =	vld [tilespmem:$0x290];
	_ =	sdelay $0x4  }
0x1d0: {  	v49 =	vshrl.u32 v3, $0x3  }
0x1d1: {  	v4 =	vmul.u32 $0x30, v49  }
0x1d2: {  	v3 =	vand.u32 $0x7, v3  }
0x1d3: {  	v3 =	vor.u32 v3, v4  }
0x1d4: {  	v4 =	vperm.xlane v3, v0;
	_ =	sdelay $0x1  }
0x1d5: {  	v4 =	vadd.s32 v1, v4;
	_ =	sdelay $0x3  }
0x1d6: {  	s25 =	simm.s32 $0xF800;
	v3 =	vperm.xlane v3, v2  }
0x1d7: {  	[tilespmem:s25], [sflag:$0x2] =	stream.indirect_vreg.gather [hbm4b:s3+s2], $0x80, v4, vm0, $0xb8;
	[tilespmem:$0x18800] =	vst v63  }
0x1d8: {  	s16 =	simm.s32 $0x10000;
	v3 =	vadd.s32 v1, v3  }
0x1d9: {  	[tilespmem:s16], [sflag:$0x2] =	stream.indirect_vreg.gather [hbm4b:s4+s2], $0x80, v4, vm0, $0xb8;
	[tilespmem:$0x18800] =	vst v63  }
0x1da: {  	s22 =	simm.s32 $0x10800  }
0x1db: {  	[tilespmem:s22], [sflag:$0x2] =	stream.indirect_vreg.gather [hbm4b:s7+s2], $0x80, v4, vm0, $0xb8;
	[tilespmem:$0x18800] =	vst v63  }
0x1dc: {  	s23 =	simm.s32 $0x11000  }
0x1dd: {  	[tilespmem:s23], [sflag:$0x2] =	stream.indirect_vreg.gather [hbm4b:s3+s2], $0x80, v3, vm0, $0xb8;
	[tilespmem:$0x18800] =	vst v63  }
0x1de: {  	s25 =	simm.s32 $0x11800  }
0x1df: {  	[tilespmem:s25], [sflag:$0x2] =	stream.indirect_vreg.gather [hbm4b:s4+s2], $0x80, v3, vm0, $0xb8;
	[tilespmem:$0x18800] =	vst v63  }
0x1e0: {  	s16 =	simm.s32 $0x12000  }
0x1e1: {  	[tilespmem:s16], [sflag:$0x2] =	stream.indirect_vreg.gather [hbm4b:s7+s2], $0x80, v3, vm0, $0xb8;
	[tilespmem:$0x18800] =	vst v63  }
0x1e2: {  	v3 =	vld [tilespmem:$0x2A0];
	_ =	sdelay $0x4  }
0x1e3: {  	v50 =	vshrl.u32 v3, $0x3  }
0x1e4: {  	v4 =	vmul.u32 $0x30, v50  }
0x1e5: {  	v3 =	vand.u32 $0x7, v3  }
0x1e6: {  	v3 =	vor.u32 v3, v4  }
0x1e7: {  	v4 =	vperm.xlane v3, v0;
	_ =	sdelay $0x1  }
0x1e8: {  	v4 =	vadd.s32 v1, v4;
	_ =	sdelay $0x3  }
0x1e9: {  	s22 =	simm.s32 $0x12800;
	v3 =	vperm.xlane v3, v2  }
0x1ea: {  	[tilespmem:s22], [sflag:$0x2] =	stream.indirect_vreg.gather [hbm4b:s3+s2], $0x80, v4, vm0, $0xb8;
	[tilespmem:$0x18800] =	vst v63  }
0x1eb: {  	s23 =	simm.s32 $0x13000;
	v3 =	vadd.s32 v1, v3  }
0x1ec: {  	[tilespmem:s23], [sflag:$0x2] =	stream.indirect_vreg.gather [hbm4b:s4+s2], $0x80, v4, vm0, $0xb8;
	[tilespmem:$0x18800] =	vst v63  }
0x1ed: {  	s25 =	simm.s32 $0x13800  }
0x1ee: {  	[tilespmem:s25], [sflag:$0x2] =	stream.indirect_vreg.gather [hbm4b:s7+s2], $0x80, v4, vm0, $0xb8;
	[tilespmem:$0x18800] =	vst v63  }
0x1ef: {  	s16 =	simm.s32 $0x14000  }
0x1f0: {  	[tilespmem:s16], [sflag:$0x2] =	stream.indirect_vreg.gather [hbm4b:s3+s2], $0x80, v3, vm0, $0xb8;
	[tilespmem:$0x18800] =	vst v63  }
0x1f1: {  	s22 =	simm.s32 $0x14800  }
0x1f2: {  	[tilespmem:s22], [sflag:$0x2] =	stream.indirect_vreg.gather [hbm4b:s4+s2], $0x80, v3, vm0, $0xb8;
	[tilespmem:$0x18800] =	vst v63  }
0x1f3: {  	s23 =	simm.s32 $0x15000  }
0x1f4: {  	[tilespmem:s23], [sflag:$0x2] =	stream.indirect_vreg.gather [hbm4b:s7+s2], $0x80, v3, vm0, $0xb8;
	[tilespmem:$0x18800] =	vst v63  }
0x1f5: {  	v3 =	vld [tilespmem:$0x2B0];
	_ =	sdelay $0x4  }
0x1f6: {  	v51 =	vshrl.u32 v3, $0x3  }
0x1f7: {  	v4 =	vmul.u32 $0x30, v51  }
0x1f8: {  	v3 =	vand.u32 $0x7, v3  }
0x1f9: {  	v3 =	vor.u32 v3, v4  }
0x1fa: {  	v4 =	vperm.xlane v3, v0;
	_ =	sdelay $0x1  }
0x1fb: {  	v4 =	vadd.s32 v1, v4;
	_ =	sdelay $0x3  }
0x1fc: {  	s22 =	simm.s32 $0x15800;
	v3 =	vperm.xlane v3, v2  }
0x1fd: {  	[tilespmem:s22], [sflag:$0x2] =	stream.indirect_vreg.gather [hbm4b:s3+s2], $0x80, v4, vm0, $0xb8;
	[tilespmem:$0x18800] =	vst v63  }
0x1fe: {  	v3 =	vadd.s32 v1, v3  }
0x1ff: {  	[tilespmem:s29], [sflag:$0x2] =	stream.indirect_vreg.gather [hbm4b:s4+s2], $0x80, v4, vm0, $0xb8;
	[tilespmem:$0x18800] =	vst v63  }
0x200: {  	_ = 	snop  }
0x201: {  	[tilespmem:s28], [sflag:$0x2] =	stream.indirect_vreg.gather [hbm4b:s7+s2], $0x80, v4, vm0, $0xb8;
	[tilespmem:$0x18800] =	vst v63  }
0x202: {  	s25 =	simm.s32 $0x17000  }
0x203: {  	[tilespmem:s25], [sflag:$0x2] =	stream.indirect_vreg.gather [hbm4b:s3+s2], $0x80, v3, vm0, $0xb8;
	[tilespmem:$0x18800] =	vst v63  }
0x204: {  	_ = 	snop  }
0x205: {  	[tilespmem:s31], [sflag:$0x2] =	stream.indirect_vreg.gather [hbm4b:s4+s2], $0x80, v3, vm0, $0xb8;
	[tilespmem:$0x18800] =	vst v63  }
0x206: {  	_ = 	snop  }
0x207: {  	[tilespmem:s30], [sflag:$0x2] =	stream.indirect_vreg.gather [hbm4b:s7+s2], $0x80, v3, vm0, $0xb8;
	[tilespmem:$0x18800] =	vst v63  }
0x208: {  	_ =	swait.ge [sflag:s18], $0xC000  }
0x209: {  	[sflag:s18] =	ssyncset.done $0x0  }
0x20a: {  	s24 =	simm.s32 $0x800;
	s13 =	rddreg [dreg:$0x8];
	[sflag:s18] =	ssyncadd.s32 $0xFFFF4000  }
0x20b: {  	[hbm4b:s13+s2] =	stream.linear.scatter [tilespmem:s24], [sflag:$0x3], $0xC000, $0x38;
	[tilespmem:$0x18800] =	vst v63  }
0x20c: {  	_ =	swait.ge [sflag:s20], $0xC000  }
0x20d: {  	[sflag:s20] =	ssyncset.done $0x0  }
0x20e: {  	[sflag:s20] =	ssyncadd.s32 $0xFFFF4000  }
0x20f: {  	v3 =	vld [tilespmem:$0x300];
	_ =	sdelay $0x4  }
0x210: {  	v52 =	vshrl.u32 v3, $0x3  }
0x211: {  	v4 =	vmul.u32 $0x30, v52  }
0x212: {  	v3 =	vand.u32 $0x7, v3  }
0x213: {  	v3 =	vor.u32 v3, v4  }
0x214: {  	v4 =	vperm.xlane v3, v0;
	_ =	sdelay $0x1  }
0x215: {  	v4 =	vadd.s32 v1, v4;
	_ =	sdelay $0x3  }
0x216: {  	v3 =	vperm.xlane v3, v2  }
0x217: {  	[tilespmem:s24], [sflag:$0x1] =	stream.indirect_vreg.gather [hbm4b:s3+s2], $0x80, v4, vm0, $0xb8;
	[tilespmem:$0x18800] =	vst v63  }
0x218: {  	s25 =	simm.s32 $0x1000;
	v3 =	vadd.s32 v1, v3  }
0x219: {  	[tilespmem:s25], [sflag:$0x1] =	stream.indirect_vreg.gather [hbm4b:s4+s2], $0x80, v4, vm0, $0xb8;
	[tilespmem:$0x18800] =	vst v63  }
0x21a: {  	_ = 	snop  }
0x21b: {  	[tilespmem:s19], [sflag:$0x1] =	stream.indirect_vreg.gather [hbm4b:s7+s2], $0x80, v4, vm0, $0xb8;
	[tilespmem:$0x18800] =	vst v63  }
0x21c: {  	s19 =	simm.s32 $0x2000  }
0x21d: {  	[tilespmem:s19], [sflag:$0x1] =	stream.indirect_vreg.gather [hbm4b:s3+s2], $0x80, v3, vm0, $0xb8;
	[tilespmem:$0x18800] =	vst v63  }
0x21e: {  	s23 =	simm.s32 $0x2800  }
0x21f: {  	[tilespmem:s23], [sflag:$0x1] =	stream.indirect_vreg.gather [hbm4b:s4+s2], $0x80, v3, vm0, $0xb8;
	[tilespmem:$0x18800] =	vst v63  }
0x220: {  	_ = 	snop  }
0x221: {  	[tilespmem:s0], [sflag:$0x1] =	stream.indirect_vreg.gather [hbm4b:s7+s2], $0x80, v3, vm0, $0xb8;
	[tilespmem:$0x18800] =	vst v63  }
0x222: {  	v3 =	vld [tilespmem:$0x310];
	_ =	sdelay $0x4  }
0x223: {  	v53 =	vshrl.u32 v3, $0x3  }
0x224: {  	v4 =	vmul.u32 $0x30, v53  }
0x225: {  	v3 =	vand.u32 $0x7, v3  }
0x226: {  	v3 =	vor.u32 v3, v4  }
0x227: {  	v4 =	vperm.xlane v3, v0;
	_ =	sdelay $0x1  }
0x228: {  	v4 =	vadd.s32 v1, v4;
	_ =	sdelay $0x3  }
0x229: {  	v3 =	vperm.xlane v3, v2  }
0x22a: {  	[tilespmem:s1], [sflag:$0x1] =	stream.indirect_vreg.gather [hbm4b:s3+s2], $0x80, v4, vm0, $0xb8;
	[tilespmem:$0x18800] =	vst v63  }
0x22b: {  	s13 =	simm.s32 $0x4000;
	v3 =	vadd.s32 v1, v3  }
0x22c: {  	[tilespmem:s13], [sflag:$0x1] =	stream.indirect_vreg.gather [hbm4b:s4+s2], $0x80, v4, vm0, $0xb8;
	[tilespmem:$0x18800] =	vst v63  }
0x22d: {  	s23 =	simm.s32 $0x4800  }
0x22e: {  	[tilespmem:s23], [sflag:$0x1] =	stream.indirect_vreg.gather [hbm4b:s7+s2], $0x80, v4, vm0, $0xb8;
	[tilespmem:$0x18800] =	vst v63  }
0x22f: {  	s1 =	simm.s32 $0x5000  }
0x230: {  	[tilespmem:s1], [sflag:$0x1] =	stream.indirect_vreg.gather [hbm4b:s3+s2], $0x80, v3, vm0, $0xb8;
	[tilespmem:$0x18800] =	vst v63  }
0x231: {  	s13 =	simm.s32 $0x5800  }
0x232: {  	[tilespmem:s13], [sflag:$0x1] =	stream.indirect_vreg.gather [hbm4b:s4+s2], $0x80, v3, vm0, $0xb8;
	[tilespmem:$0x18800] =	vst v63  }
0x233: {  	_ = 	snop  }
0x234: {  	[tilespmem:s6], [sflag:$0x1] =	stream.indirect_vreg.gather [hbm4b:s7+s2], $0x80, v3, vm0, $0xb8;
	[tilespmem:$0x18800] =	vst v63  }
0x235: {  	v3 =	vld [tilespmem:$0x320];
	_ =	sdelay $0x4  }
0x236: {  	v54 =	vshrl.u32 v3, $0x3  }
0x237: {  	v4 =	vmul.u32 $0x30, v54  }
0x238: {  	v3 =	vand.u32 $0x7, v3  }
0x239: {  	v3 =	vor.u32 v3, v4  }
0x23a: {  	v4 =	vperm.xlane v3, v0;
	_ =	sdelay $0x1  }
0x23b: {  	v4 =	vadd.s32 v1, v4;
	_ =	sdelay $0x3  }
0x23c: {  	v3 =	vperm.xlane v3, v2  }
0x23d: {  	[tilespmem:s8], [sflag:$0x1] =	stream.indirect_vreg.gather [hbm4b:s3+s2], $0x80, v4, vm0, $0xb8;
	[tilespmem:$0x18800] =	vst v63  }
0x23e: {  	s23 =	simm.s32 $0x7000;
	v3 =	vadd.s32 v1, v3  }
0x23f: {  	[tilespmem:s23], [sflag:$0x1] =	stream.indirect_vreg.gather [hbm4b:s4+s2], $0x80, v4, vm0, $0xb8;
	[tilespmem:$0x18800] =	vst v63  }
0x240: {  	s1 =	simm.s32 $0x7800  }
0x241: {  	[tilespmem:s1], [sflag:$0x1] =	stream.indirect_vreg.gather [hbm4b:s7+s2], $0x80, v4, vm0, $0xb8;
	[tilespmem:$0x18800] =	vst v63  }
0x242: {  	s6 =	simm.s32 $0x8000  }
0x243: {  	[tilespmem:s6], [sflag:$0x1] =	stream.indirect_vreg.gather [hbm4b:s3+s2], $0x80, v3, vm0, $0xb8;
	[tilespmem:$0x18800] =	vst v63  }
0x244: {  	s8 =	simm.s32 $0x8800  }
0x245: {  	[tilespmem:s8], [sflag:$0x1] =	stream.indirect_vreg.gather [hbm4b:s4+s2], $0x80, v3, vm0, $0xb8;
	[tilespmem:$0x18800] =	vst v63  }
0x246: {  	_ = 	snop  }
0x247: {  	[tilespmem:s9], [sflag:$0x1] =	stream.indirect_vreg.gather [hbm4b:s7+s2], $0x80, v3, vm0, $0xb8;
	[tilespmem:$0x18800] =	vst v63  }
0x248: {  	v3 =	vld [tilespmem:$0x330];
	_ =	sdelay $0x4  }
0x249: {  	v55 =	vshrl.u32 v3, $0x3  }
0x24a: {  	v4 =	vmul.u32 $0x30, v55  }
0x24b: {  	v3 =	vand.u32 $0x7, v3  }
0x24c: {  	v3 =	vor.u32 v3, v4  }
0x24d: {  	v4 =	vperm.xlane v3, v0;
	_ =	sdelay $0x1  }
0x24e: {  	v4 =	vadd.s32 v1, v4;
	_ =	sdelay $0x3  }
0x24f: {  	v3 =	vperm.xlane v3, v2  }
0x250: {  	[tilespmem:s10], [sflag:$0x1] =	stream.indirect_vreg.gather [hbm4b:s3+s2], $0x80, v4, vm0, $0xb8;
	[tilespmem:$0x18800] =	vst v63  }
0x251: {  	s14 =	simm.s32 $0xA000;
	v3 =	vadd.s32 v1, v3  }
0x252: {  	[tilespmem:s14], [sflag:$0x1] =	stream.indirect_vreg.gather [hbm4b:s4+s2], $0x80, v4, vm0, $0xb8;
	[tilespmem:$0x18800] =	vst v63  }
0x253: {  	s15 =	simm.s32 $0xA800  }
0x254: {  	[tilespmem:s15], [sflag:$0x1] =	stream.indirect_vreg.gather [hbm4b:s7+s2], $0x80, v4, vm0, $0xb8;
	[tilespmem:$0x18800] =	vst v63  }
0x255: {  	s10 =	simm.s32 $0xB000  }
0x256: {  	[tilespmem:s10], [sflag:$0x1] =	stream.indirect_vreg.gather [hbm4b:s3+s2], $0x80, v3, vm0, $0xb8;
	[tilespmem:$0x18800] =	vst v63  }
0x257: {  	s13 =	simm.s32 $0xB800  }
0x258: {  	[tilespmem:s13], [sflag:$0x1] =	stream.indirect_vreg.gather [hbm4b:s4+s2], $0x80, v3, vm0, $0xb8;
	[tilespmem:$0x18800] =	vst v63  }
0x259: {  	_ = 	snop  }
0x25a: {  	[tilespmem:s11], [sflag:$0x1] =	stream.indirect_vreg.gather [hbm4b:s7+s2], $0x80, v3, vm0, $0xb8;
	[tilespmem:$0x18800] =	vst v63  }
0x25b: {  	_ =	swait.ge [sflag:s21], $0xC000  }
0x25c: {  	[sflag:s21] =	ssyncset.done $0x0  }
0x25d: {  	s14 =	rddreg [dreg:$0x9];
	[sflag:s21] =	ssyncadd.s32 $0xFFFF4000  }
0x25e: {  	[hbm4b:s14+s2] =	stream.linear.scatter [tilespmem:s26], [sflag:$0x4], $0xC000, $0x38;
	[tilespmem:$0x18800] =	vst v63  }
0x25f: {  	_ =	swait.ge [sflag:s17], $0xC000  }
0x260: {  	[sflag:s17] =	ssyncset.done $0x0  }
0x261: {  	[sflag:s17] =	ssyncadd.s32 $0xFFFF4000  }
0x262: {  	v3 =	vld [tilespmem:$0x380];
	_ =	sdelay $0x4  }
0x263: {  	v56 =	vshrl.u32 v3, $0x3  }
0x264: {  	v4 =	vmul.u32 $0x30, v56  }
0x265: {  	v3 =	vand.u32 $0x7, v3  }
0x266: {  	v3 =	vor.u32 v3, v4  }
0x267: {  	v4 =	vperm.xlane v3, v0;
	_ =	sdelay $0x1  }
0x268: {  	v4 =	vadd.s32 v1, v4;
	_ =	sdelay $0x3  }
0x269: {  	v3 =	vperm.xlane v3, v2  }
0x26a: {  	[tilespmem:s26], [sflag:$0x2] =	stream.indirect_vreg.gather [hbm4b:s3+s2], $0x80, v4, vm0, $0xb8;
	[tilespmem:$0x18800] =	vst v63  }
0x26b: {  	s5 =	simm.s32 $0xD000;
	v3 =	vadd.s32 v1, v3  }
0x26c: {  	[tilespmem:s5], [sflag:$0x2] =	stream.indirect_vreg.gather [hbm4b:s4+s2], $0x80, v4, vm0, $0xb8;
	[tilespmem:$0x18800] =	vst v63  }
0x26d: {  	s12 =	simm.s32 $0xD800  }
0x26e: {  	[tilespmem:s12], [sflag:$0x2] =	stream.indirect_vreg.gather [hbm4b:s7+s2], $0x80, v4, vm0, $0xb8;
	[tilespmem:$0x18800] =	vst v63  }
0x26f: {  	s1 =	simm.s32 $0xE000  }
0x270: {  	[tilespmem:s1], [sflag:$0x2] =	stream.indirect_vreg.gather [hbm4b:s3+s2], $0x80, v3, vm0, $0xb8;
	[tilespmem:$0x18800] =	vst v63  }
0x271: {  	s6 =	simm.s32 $0xE800  }
0x272: {  	[tilespmem:s6], [sflag:$0x2] =	stream.indirect_vreg.gather [hbm4b:s4+s2], $0x80, v3, vm0, $0xb8;
	[tilespmem:$0x18800] =	vst v63  }
0x273: {  	s5 =	simm.s32 $0xF000  }
0x274: {  	[tilespmem:s5], [sflag:$0x2] =	stream.indirect_vreg.gather [hbm4b:s7+s2], $0x80, v3, vm0, $0xb8;
	[tilespmem:$0x18800] =	vst v63  }
0x275: {  	v3 =	vld [tilespmem:$0x390];
	_ =	sdelay $0x4  }
0x276: {  	v57 =	vshrl.u32 v3, $0x3  }
0x277: {  	v4 =	vmul.u32 $0x30, v57  }
0x278: {  	v3 =	vand.u32 $0x7, v3  }
0x279: {  	v3 =	vor.u32 v3, v4  }
0x27a: {  	v4 =	vperm.xlane v3, v0;
	_ =	sdelay $0x1  }
0x27b: {  	v4 =	vadd.s32 v1, v4;
	_ =	sdelay $0x3  }
0x27c: {  	s8 =	simm.s32 $0xF800;
	v3 =	vperm.xlane v3, v2  }
0x27d: {  	[tilespmem:s8], [sflag:$0x2] =	stream.indirect_vreg.gather [hbm4b:s3+s2], $0x80, v4, vm0, $0xb8;
	[tilespmem:$0x18800] =	vst v63  }
0x27e: {  	s10 =	simm.s32 $0x10000;
	v3 =	vadd.s32 v1, v3  }
0x27f: {  	[tilespmem:s10], [sflag:$0x2] =	stream.indirect_vreg.gather [hbm4b:s4+s2], $0x80, v4, vm0, $0xb8;
	[tilespmem:$0x18800] =	vst v63  }
0x280: {  	s9 =	simm.s32 $0x10800  }
0x281: {  	[tilespmem:s9], [sflag:$0x2] =	stream.indirect_vreg.gather [hbm4b:s7+s2], $0x80, v4, vm0, $0xb8;
	[tilespmem:$0x18800] =	vst v63  }
0x282: {  	s11 =	simm.s32 $0x11000  }
0x283: {  	[tilespmem:s11], [sflag:$0x2] =	stream.indirect_vreg.gather [hbm4b:s3+s2], $0x80, v3, vm0, $0xb8;
	[tilespmem:$0x18800] =	vst v63  }
0x284: {  	s13 =	simm.s32 $0x11800  }
0x285: {  	[tilespmem:s13], [sflag:$0x2] =	stream.indirect_vreg.gather [hbm4b:s4+s2], $0x80, v3, vm0, $0xb8;
	[tilespmem:$0x18800] =	vst v63  }
0x286: {  	s12 =	simm.s32 $0x12000  }
0x287: {  	[tilespmem:s12], [sflag:$0x2] =	stream.indirect_vreg.gather [hbm4b:s7+s2], $0x80, v3, vm0, $0xb8;
	[tilespmem:$0x18800] =	vst v63  }
0x288: {  	v3 =	vld [tilespmem:$0x3A0];
	_ =	sdelay $0x4  }
0x289: {  	v58 =	vshrl.u32 v3, $0x3  }
0x28a: {  	v4 =	vmul.u32 $0x30, v58  }
0x28b: {  	v3 =	vand.u32 $0x7, v3  }
0x28c: {  	v3 =	vor.u32 v3, v4  }
0x28d: {  	v4 =	vperm.xlane v3, v0;
	_ =	sdelay $0x1  }
0x28e: {  	v4 =	vadd.s32 v1, v4;
	_ =	sdelay $0x3  }
0x28f: {  	s14 =	simm.s32 $0x12800;
	v3 =	vperm.xlane v3, v2  }
0x290: {  	[tilespmem:s14], [sflag:$0x2] =	stream.indirect_vreg.gather [hbm4b:s3+s2], $0x80, v4, vm0, $0xb8;
	[tilespmem:$0x18800] =	vst v63  }
0x291: {  	s28 =	simm.s32 $0x13000;
	v3 =	vadd.s32 v1, v3  }
0x292: {  	[tilespmem:s28], [sflag:$0x2] =	stream.indirect_vreg.gather [hbm4b:s4+s2], $0x80, v4, vm0, $0xb8;
	[tilespmem:$0x18800] =	vst v63  }
0x293: {  	s0 =	simm.s32 $0x13800  }
0x294: {  	[tilespmem:s0], [sflag:$0x2] =	stream.indirect_vreg.gather [hbm4b:s7+s2], $0x80, v4, vm0, $0xb8;
	[tilespmem:$0x18800] =	vst v63  }
0x295: {  	s15 =	simm.s32 $0x14000  }
0x296: {  	[tilespmem:s15], [sflag:$0x2] =	stream.indirect_vreg.gather [hbm4b:s3+s2], $0x80, v3, vm0, $0xb8;
	[tilespmem:$0x18800] =	vst v63  }
0x297: {  	s26 =	simm.s32 $0x14800  }
0x298: {  	[tilespmem:s26], [sflag:$0x2] =	stream.indirect_vreg.gather [hbm4b:s4+s2], $0x80, v3, vm0, $0xb8;
	[tilespmem:$0x18800] =	vst v63  }
0x299: {  	s23 =	simm.s32 $0x15000  }
0x29a: {  	[tilespmem:s23], [sflag:$0x2] =	stream.indirect_vreg.gather [hbm4b:s7+s2], $0x80, v3, vm0, $0xb8;
	[tilespmem:$0x18800] =	vst v63  }
0x29b: {  	v3 =	vld [tilespmem:$0x3B0];
	_ =	sdelay $0x4  }
0x29c: {  	v59 =	vshrl.u32 v3, $0x3  }
0x29d: {  	v4 =	vmul.u32 $0x30, v59  }
0x29e: {  	v3 =	vand.u32 $0x7, v3  }
0x29f: {  	v3 =	vor.u32 v3, v4  }
0x2a0: {  	v4 =	vperm.xlane v3, v0;
	_ =	sdelay $0x1  }
0x2a1: {  	v4 =	vadd.s32 v1, v4;
	_ =	sdelay $0x3  }
0x2a2: {  	v3 =	vperm.xlane v3, v2  }
0x2a3: {  	[tilespmem:s22], [sflag:$0x2] =	stream.indirect_vreg.gather [hbm4b:s3+s2], $0x80, v4, vm0, $0xb8;
	[tilespmem:$0x18800] =	vst v63  }
0x2a4: {  	v3 =	vadd.s32 v1, v3  }
0x2a5: {  	[tilespmem:s29], [sflag:$0x2] =	stream.indirect_vreg.gather [hbm4b:s4+s2], $0x80, v4, vm0, $0xb8;
	[tilespmem:$0x18800] =	vst v63  }
0x2a6: {  	s16 =	simm.s32 $0x16800  }
0x2a7: {  	[tilespmem:s16], [sflag:$0x2] =	stream.indirect_vreg.gather [hbm4b:s7+s2], $0x80, v4, vm0, $0xb8;
	[tilespmem:$0x18800] =	vst v63  }
0x2a8: {  	s29 =	simm.s32 $0x17000  }
0x2a9: {  	[tilespmem:s29], [sflag:$0x2] =	stream.indirect_vreg.gather [hbm4b:s3+s2], $0x80, v3, vm0, $0xb8;
	[tilespmem:$0x18800] =	vst v63  }
0x2aa: {  	s31 =	simm.s32 $0x17800  }
0x2ab: {  	[tilespmem:s31], [sflag:$0x2] =	stream.indirect_vreg.gather [hbm4b:s4+s2], $0x80, v3, vm0, $0xb8;
	[tilespmem:$0x18800] =	vst v63  }
0x2ac: {  	s30 =	simm.s32 $0x18000  }
0x2ad: {  	[tilespmem:s30], [sflag:$0x2] =	stream.indirect_vreg.gather [hbm4b:s7+s2], $0x80, v3, vm0, $0xb8;
	[tilespmem:$0x18800] =	vst v63  }
0x2ae: {  	_ =	swait.ge [sflag:s18], $0xC000  }
0x2af: {  	[sflag:s18] =	ssyncset.done $0x0  }
0x2b0: {  	s15 =	rddreg [dreg:$0xa];
	[sflag:s18] =	ssyncadd.s32 $0xFFFF4000  }
0x2b1: {  	[hbm4b:s15+s2] =	stream.linear.scatter [tilespmem:s24], [sflag:$0x3], $0xC000, $0x38;
	[tilespmem:$0x18800] =	vst v63  }
0x2b2: {  	_ =	swait.ge [sflag:s20], $0xC000  }
0x2b3: {  	[sflag:s20] =	ssyncset.done $0x0  }
0x2b4: {  	[sflag:s20] =	ssyncadd.s32 $0xFFFF4000  }
0x2b5: {  	v3 =	vld [tilespmem:$0x400];
	_ =	sdelay $0x4  }
0x2b6: {  	v60 =	vshrl.u32 v3, $0x3  }
0x2b7: {  	v4 =	vmul.u32 $0x30, v60  }
0x2b8: {  	v3 =	vand.u32 $0x7, v3  }
0x2b9: {  	v3 =	vor.u32 v3, v4  }
0x2ba: {  	v4 =	vperm.xlane v3, v0;
	_ =	sdelay $0x1  }
0x2bb: {  	v4 =	vadd.s32 v1, v4;
	_ =	sdelay $0x3  }
0x2bc: {  	v3 =	vperm.xlane v3, v2  }
0x2bd: {  	[tilespmem:s24], [sflag:$0x1] =	stream.indirect_vreg.gather [hbm4b:s3+s2], $0x80, v4, vm0, $0xb8;
	[tilespmem:$0x18800] =	vst v63  }
0x2be: {  	s16 =	simm.s32 $0x1000;
	v3 =	vadd.s32 v1, v3  }
0x2bf: {  	[tilespmem:s16], [sflag:$0x1] =	stream.indirect_vreg.gather [hbm4b:s4+s2], $0x80, v4, vm0, $0xb8;
	[tilespmem:$0x18800] =	vst v63  }
0x2c0: {  	s25 =	simm.s32 $0x1800  }
0x2c1: {  	[tilespmem:s25], [sflag:$0x1] =	stream.indirect_vreg.gather [hbm4b:s7+s2], $0x80, v4, vm0, $0xb8;
	[tilespmem:$0x18800] =	vst v63  }
0x2c2: {  	s22 =	simm.s32 $0x2000  }
0x2c3: {  	[tilespmem:s22], [sflag:$0x1] =	stream.indirect_vreg.gather [hbm4b:s3+s2], $0x80, v3, vm0, $0xb8;
	[tilespmem:$0x18800] =	vst v63  }
0x2c4: {  	s23 =	simm.s32 $0x2800  }
0x2c5: {  	[tilespmem:s23], [sflag:$0x1] =	stream.indirect_vreg.gather [hbm4b:s4+s2], $0x80, v3, vm0, $0xb8;
	[tilespmem:$0x18800] =	vst v63  }
0x2c6: {  	s25 =	simm.s32 $0x3000  }
0x2c7: {  	[tilespmem:s25], [sflag:$0x1] =	stream.indirect_vreg.gather [hbm4b:s7+s2], $0x80, v3, vm0, $0xb8;
	[tilespmem:$0x18800] =	vst v63  }
0x2c8: {  	v3 =	vld [tilespmem:$0x410];
	_ =	sdelay $0x4  }
0x2c9: {  	v61 =	vshrl.u32 v3, $0x3  }
0x2ca: {  	v4 =	vmul.u32 $0x30, v61  }
0x2cb: {  	v3 =	vand.u32 $0x7, v3  }
0x2cc: {  	v3 =	vor.u32 v3, v4  }
0x2cd: {  	v4 =	vperm.xlane v3, v0;
	_ =	sdelay $0x1  }
0x2ce: {  	v4 =	vadd.s32 v1, v4;
	_ =	sdelay $0x3  }
0x2cf: {  	s19 =	simm.s32 $0x3800;
	v3 =	vperm.xlane v3, v2  }
0x2d0: {  	[tilespmem:s19], [sflag:$0x1] =	stream.indirect_vreg.gather [hbm4b:s3+s2], $0x80, v4, vm0, $0xb8;
	[tilespmem:$0x18800] =	vst v63  }
0x2d1: {  	s30 =	simm.s32 $0x4000;
	v3 =	vadd.s32 v1, v3  }
0x2d2: {  	[tilespmem:s30], [sflag:$0x1] =	stream.indirect_vreg.gather [hbm4b:s4+s2], $0x80, v4, vm0, $0xb8;
	[tilespmem:$0x18800] =	vst v63  }
0x2d3: {  	s31 =	simm.s32 $0x4800  }
0x2d4: {  	[tilespmem:s31], [sflag:$0x1] =	stream.indirect_vreg.gather [hbm4b:s7+s2], $0x80, v4, vm0, $0xb8;
	[tilespmem:$0x18800] =	vst v63  }
0x2d5: {  	s15 =	simm.s32 $0x5000  }
0x2d6: {  	[tilespmem:s15], [sflag:$0x1] =	stream.indirect_vreg.gather [hbm4b:s3+s2], $0x80, v3, vm0, $0xb8;
	[tilespmem:$0x18800] =	vst v63  }
0x2d7: {  	s16 =	simm.s32 $0x5800  }
0x2d8: {  	[tilespmem:s16], [sflag:$0x1] =	stream.indirect_vreg.gather [hbm4b:s4+s2], $0x80, v3, vm0, $0xb8;
	[tilespmem:$0x18800] =	vst v63  }
0x2d9: {  	s19 =	simm.s32 $0x6000  }
0x2da: {  	[tilespmem:s19], [sflag:$0x1] =	stream.indirect_vreg.gather [hbm4b:s7+s2], $0x80, v3, vm0, $0xb8;
	[tilespmem:$0x18800] =	vst v63  }
0x2db: {  	v3 =	vld [tilespmem:$0x420];
	_ =	sdelay $0x4  }
0x2dc: {  	v62 =	vshrl.u32 v3, $0x3  }
0x2dd: {  	v4 =	vmul.u32 $0x30, v62  }
0x2de: {  	v3 =	vand.u32 $0x7, v3  }
0x2df: {  	v3 =	vor.u32 v3, v4  }
0x2e0: {  	v4 =	vperm.xlane v3, v0;
	_ =	sdelay $0x1  }
0x2e1: {  	v4 =	vadd.s32 v1, v4;
	_ =	sdelay $0x3  }
0x2e2: {  	s22 =	simm.s32 $0x6800;
	v3 =	vperm.xlane v3, v2  }
0x2e3: {  	[tilespmem:s22], [sflag:$0x1] =	stream.indirect_vreg.gather [hbm4b:s3+s2], $0x80, v4, vm0, $0xb8;
	[tilespmem:$0x18800] =	vst v63  }
0x2e4: {  	s23 =	simm.s32 $0x7000;
	v3 =	vadd.s32 v1, v3  }
0x2e5: {  	[tilespmem:s23], [sflag:$0x1] =	stream.indirect_vreg.gather [hbm4b:s4+s2], $0x80, v4, vm0, $0xb8;
	[tilespmem:$0x18800] =	vst v63  }
0x2e6: {  	s25 =	simm.s32 $0x7800  }
0x2e7: {  	[tilespmem:s25], [sflag:$0x1] =	stream.indirect_vreg.gather [hbm4b:s7+s2], $0x80, v4, vm0, $0xb8;
	[tilespmem:$0x18800] =	vst v63  }
0x2e8: {  	s30 =	simm.s32 $0x8000  }
0x2e9: {  	[tilespmem:s30], [sflag:$0x1] =	stream.indirect_vreg.gather [hbm4b:s3+s2], $0x80, v3, vm0, $0xb8;
	[tilespmem:$0x18800] =	vst v63  }
0x2ea: {  	s31 =	simm.s32 $0x8800  }
0x2eb: {  	[tilespmem:s31], [sflag:$0x1] =	stream.indirect_vreg.gather [hbm4b:s4+s2], $0x80, v3, vm0, $0xb8;
	[tilespmem:$0x18800] =	vst v63  }
0x2ec: {  	s15 =	simm.s32 $0x9000  }
0x2ed: {  	[tilespmem:s15], [sflag:$0x1] =	stream.indirect_vreg.gather [hbm4b:s7+s2], $0x80, v3, vm0, $0xb8;
	[tilespmem:$0x18800] =	vst v63  }
0x2ee: {  	v3 =	vld [tilespmem:$0x430];
	_ =	sdelay $0x4  }
0x2ef: {  	v63 =	vshrl.u32 v3, $0x3  }
0x2f0: {  	v4 =	vmul.u32 $0x30, v63  }
0x2f1: {  	v3 =	vand.u32 $0x7, v3  }
0x2f2: {  	v3 =	vor.u32 v3, v4  }
0x2f3: {  	v4 =	vperm.xlane v3, v0;
	_ =	sdelay $0x1  }
0x2f4: {  	v4 =	vadd.s32 v1, v4;
	_ =	sdelay $0x3  }
0x2f5: {  	s16 =	simm.s32 $0x9800;
	v3 =	vperm.xlane v3, v2  }
0x2f6: {  	[tilespmem:s16], [sflag:$0x1] =	stream.indirect_vreg.gather [hbm4b:s3+s2], $0x80, v4, vm0, $0xb8;
	[tilespmem:$0x18800] =	vst v63  }
0x2f7: {  	s19 =	simm.s32 $0xA000;
	v3 =	vadd.s32 v1, v3  }
0x2f8: {  	[tilespmem:s19], [sflag:$0x1] =	stream.indirect_vreg.gather [hbm4b:s4+s2], $0x80, v4, vm0, $0xb8;
	[tilespmem:$0x18800] =	vst v63  }
0x2f9: {  	s22 =	simm.s32 $0xA800  }
0x2fa: {  	[tilespmem:s22], [sflag:$0x1] =	stream.indirect_vreg.gather [hbm4b:s7+s2], $0x80, v4, vm0, $0xb8;
	[tilespmem:$0x18800] =	vst v63  }
0x2fb: {  	s23 =	simm.s32 $0xB000  }
0x2fc: {  	[tilespmem:s23], [sflag:$0x1] =	stream.indirect_vreg.gather [hbm4b:s3+s2], $0x80, v3, vm0, $0xb8;
	[tilespmem:$0x18800] =	vst v63  }
0x2fd: {  	s25 =	simm.s32 $0xB800  }
0x2fe: {  	[tilespmem:s25], [sflag:$0x1] =	stream.indirect_vreg.gather [hbm4b:s4+s2], $0x80, v3, vm0, $0xb8;
	[tilespmem:$0x18800] =	vst v63  }
0x2ff: {  	s30 =	simm.s32 $0xC000  }
0x300: {  	[tilespmem:s30], [sflag:$0x1] =	stream.indirect_vreg.gather [hbm4b:s7+s2], $0x80, v3, vm0, $0xb8;
	[tilespmem:$0x18800] =	vst v63  }
0x301: {  	_ =	swait.ge [sflag:s21], $0xC000  }
0x302: {  	s26 =	simm.s32 $0xC800;
	[sflag:s21] =	ssyncset.done $0x0  }
.Ltmp2:
0x303: {  	s31 =	rddreg [dreg:$0xb];
	[sflag:s21] =	ssyncadd.s32 $0xFFFF4000;
	(pc) =	sbr.rel @p0 .LBB2_3-.Ltmp2, $4  }
0x304: {  	[hbm4b:s31+s2] =	stream.linear.scatter [tilespmem:s26], [sflag:$0x4], $0xC000, $0x38;
	[tilespmem:$0x18800] =	vst v63  }
0x305: {  	_ =	swait.ge [sflag:s17], $0xC000  }
0x306: {  	[sflag:s17] =	ssyncset.done $0x0  }
0x307: {  	s28 =	simm.s32 $0x14000;
	[sflag:s17] =	ssyncadd.s32 $0xFFFF4000  }
0x308: {  	v3 =	vld [tilespmem:$0x480];
	_ =	sdelay $0x4  }
0x309: {  	v4 =	vshrl.u32 v3, $0x3  }
0x30a: {  	v4 =	vmul.u32 $0x30, v4  }
0x30b: {  	v3 =	vand.u32 $0x7, v3  }
0x30c: {  	v3 =	vor.u32 v3, v4  }
0x30d: {  	v4 =	vperm.xlane v3, v0;
	_ =	sdelay $0x1  }
0x30e: {  	v4 =	vadd.s32 v1, v4;
	_ =	sdelay $0x3  }
0x30f: {  	v3 =	vperm.xlane v3, v2  }
0x310: {  	[tilespmem:s26], [sflag:$0x2] =	stream.indirect_vreg.gather [hbm4b:s3+s2], $0x80, v4, vm0, $0xb8;
	[tilespmem:$0x18800] =	vst v63  }
0x311: {  	s0 =	simm.s32 $0xD000;
	v3 =	vadd.s32 v1, v3  }
0x312: {  	[tilespmem:s0], [sflag:$0x2] =	stream.indirect_vreg.gather [hbm4b:s4+s2], $0x80, v4, vm0, $0xb8;
	[tilespmem:$0x18800] =	vst v63  }
0x313: {  	s15 =	simm.s32 $0xD800  }
0x314: {  	[tilespmem:s15], [sflag:$0x2] =	stream.indirect_vreg.gather [hbm4b:s7+s2], $0x80, v4, vm0, $0xb8;
	[tilespmem:$0x18800] =	vst v63  }
0x315: {  	_ = 	snop  }
0x316: {  	[tilespmem:s1], [sflag:$0x2] =	stream.indirect_vreg.gather [hbm4b:s3+s2], $0x80, v3, vm0, $0xb8;
	[tilespmem:$0x18800] =	vst v63  }
0x317: {  	_ = 	snop  }
0x318: {  	[tilespmem:s6], [sflag:$0x2] =	stream.indirect_vreg.gather [hbm4b:s4+s2], $0x80, v3, vm0, $0xb8;
	[tilespmem:$0x18800] =	vst v63  }
0x319: {  	_ = 	snop  }
0x31a: {  	[tilespmem:s5], [sflag:$0x2] =	stream.indirect_vreg.gather [hbm4b:s7+s2], $0x80, v3, vm0, $0xb8;
	[tilespmem:$0x18800] =	vst v63  }
0x31b: {  	v3 =	vld [tilespmem:$0x490];
	_ =	sdelay $0x4  }
0x31c: {  	v61 =	vshrl.u32 v3, $0x3  }
0x31d: {  	v4 =	vmul.u32 $0x30, v61  }
0x31e: {  	v3 =	vand.u32 $0x7, v3  }
0x31f: {  	v3 =	vor.u32 v3, v4  }
0x320: {  	v4 =	vperm.xlane v3, v0;
	_ =	sdelay $0x1  }
0x321: {  	v4 =	vadd.s32 v1, v4;
	_ =	sdelay $0x3  }
0x322: {  	v3 =	vperm.xlane v3, v2  }
0x323: {  	[tilespmem:s8], [sflag:$0x2] =	stream.indirect_vreg.gather [hbm4b:s3+s2], $0x80, v4, vm0, $0xb8;
	[tilespmem:$0x18800] =	vst v63  }
0x324: {  	v3 =	vadd.s32 v1, v3  }
0x325: {  	[tilespmem:s10], [sflag:$0x2] =	stream.indirect_vreg.gather [hbm4b:s4+s2], $0x80, v4, vm0, $0xb8;
	[tilespmem:$0x18800] =	vst v63  }
0x326: {  	_ = 	snop  }
0x327: {  	[tilespmem:s9], [sflag:$0x2] =	stream.indirect_vreg.gather [hbm4b:s7+s2], $0x80, v4, vm0, $0xb8;
	[tilespmem:$0x18800] =	vst v63  }
0x328: {  	_ = 	snop  }
0x329: {  	[tilespmem:s11], [sflag:$0x2] =	stream.indirect_vreg.gather [hbm4b:s3+s2], $0x80, v3, vm0, $0xb8;
	[tilespmem:$0x18800] =	vst v63  }
0x32a: {  	_ = 	snop  }
0x32b: {  	[tilespmem:s13], [sflag:$0x2] =	stream.indirect_vreg.gather [hbm4b:s4+s2], $0x80, v3, vm0, $0xb8;
	[tilespmem:$0x18800] =	vst v63  }
0x32c: {  	_ = 	snop  }
0x32d: {  	[tilespmem:s12], [sflag:$0x2] =	stream.indirect_vreg.gather [hbm4b:s7+s2], $0x80, v3, vm0, $0xb8;
	[tilespmem:$0x18800] =	vst v63  }
0x32e: {  	v3 =	vld [tilespmem:$0x4A0];
	_ =	sdelay $0x4  }
0x32f: {  	v62 =	vshrl.u32 v3, $0x3  }
0x330: {  	v4 =	vmul.u32 $0x30, v62  }
0x331: {  	v3 =	vand.u32 $0x7, v3  }
0x332: {  	v3 =	vor.u32 v3, v4  }
0x333: {  	v4 =	vperm.xlane v3, v0;
	_ =	sdelay $0x1  }
0x334: {  	v4 =	vadd.s32 v1, v4;
	_ =	sdelay $0x3  }
0x335: {  	v3 =	vperm.xlane v3, v2  }
0x336: {  	[tilespmem:s14], [sflag:$0x2] =	stream.indirect_vreg.gather [hbm4b:s3+s2], $0x80, v4, vm0, $0xb8;
	[tilespmem:$0x18800] =	vst v63  }
0x337: {  	s16 =	simm.s32 $0x13000;
	v3 =	vadd.s32 v1, v3  }
0x338: {  	[tilespmem:s16], [sflag:$0x2] =	stream.indirect_vreg.gather [hbm4b:s4+s2], $0x80, v4, vm0, $0xb8;
	[tilespmem:$0x18800] =	vst v63  }
0x339: {  	s17 =	simm.s32 $0x13800  }
0x33a: {  	[tilespmem:s17], [sflag:$0x2] =	stream.indirect_vreg.gather [hbm4b:s7+s2], $0x80, v4, vm0, $0xb8;
	[tilespmem:$0x18800] =	vst v63  }
0x33b: {  	_ = 	snop  }
0x33c: {  	[tilespmem:s28], [sflag:$0x2] =	stream.indirect_vreg.gather [hbm4b:s3+s2], $0x80, v3, vm0, $0xb8;
	[tilespmem:$0x18800] =	vst v63  }
0x33d: {  	s19 =	simm.s32 $0x14800  }
0x33e: {  	[tilespmem:s19], [sflag:$0x2] =	stream.indirect_vreg.gather [hbm4b:s4+s2], $0x80, v3, vm0, $0xb8;
	[tilespmem:$0x18800] =	vst v63  }
0x33f: {  	s22 =	simm.s32 $0x15000  }
0x340: {  	[tilespmem:s22], [sflag:$0x2] =	stream.indirect_vreg.gather [hbm4b:s7+s2], $0x80, v3, vm0, $0xb8;
	[tilespmem:$0x18800] =	vst v63  }
0x341: {  	v3 =	vld [tilespmem:$0x4B0];
	_ =	sdelay $0x4  }
0x342: {  	v63 =	vshrl.u32 v3, $0x3  }
0x343: {  	v4 =	vmul.u32 $0x30, v63  }
0x344: {  	v3 =	vand.u32 $0x7, v3  }
0x345: {  	v3 =	vor.u32 v3, v4  }
0x346: {  	v4 =	vperm.xlane v3, v0;
	_ =	sdelay $0x1  }
0x347: {  	v4 =	vadd.s32 v1, v4;
	_ =	sdelay $0x3  }
0x348: {  	s23 =	simm.s32 $0x15800;
	v3 =	vperm.xlane v3, v2  }
0x349: {  	[tilespmem:s23], [sflag:$0x2] =	stream.indirect_vreg.gather [hbm4b:s3+s2], $0x80, v4, vm0, $0xb8;
	[tilespmem:$0x18800] =	vst v63  }
0x34a: {  	s25 =	simm.s32 $0x16000;
	v3 =	vadd.s32 v1, v3  }
0x34b: {  	[tilespmem:s25], [sflag:$0x2] =	stream.indirect_vreg.gather [hbm4b:s4+s2], $0x80, v4, vm0, $0xb8;
	[tilespmem:$0x18800] =	vst v63  }
0x34c: {  	s28 =	simm.s32 $0x16800  }
0x34d: {  	[tilespmem:s28], [sflag:$0x2] =	stream.indirect_vreg.gather [hbm4b:s7+s2], $0x80, v4, vm0, $0xb8;
	[tilespmem:$0x18800] =	vst v63  }
0x34e: {  	_ = 	snop  }
0x34f: {  	[tilespmem:s29], [sflag:$0x2] =	stream.indirect_vreg.gather [hbm4b:s3+s2], $0x80, v3, vm0, $0xb8;
	[tilespmem:$0x18800] =	vst v63  }
0x350: {  	s29 =	simm.s32 $0x17800  }
0x351: {  	[tilespmem:s29], [sflag:$0x2] =	stream.indirect_vreg.gather [hbm4b:s4+s2], $0x80, v3, vm0, $0xb8;
	[tilespmem:$0x18800] =	vst v63  }
0x352: {  	s30 =	simm.s32 $0x18000  }
0x353: {  	[tilespmem:s30], [sflag:$0x2] =	stream.indirect_vreg.gather [hbm4b:s7+s2], $0x80, v3, vm0, $0xb8;
	[tilespmem:$0x18800] =	vst v63  }
0x354: {  	_ =	swait.ge [sflag:s18], $0xC000  }
0x355: {  	[sflag:s18] =	ssyncset.done $0x0  }
0x356: {  	s23 =	rddreg [dreg:$0xc];
	[sflag:s18] =	ssyncadd.s32 $0xFFFF4000  }
0x357: {  	[hbm4b:s23+s2] =	stream.linear.scatter [tilespmem:s24], [sflag:$0x3], $0xC000, $0x38;
	[tilespmem:$0x18800] =	vst v63  }
0x358: {  	_ =	swait.ge [sflag:s20], $0xC000  }
0x359: {  	[sflag:s20] =	ssyncset.done $0x0  }
.Ltmp3:
0x35a: {  	[sflag:s20] =	ssyncadd.s32 $0xFFFF4000;
	(pc) =	sbr.rel .LBB2_4-.Ltmp3, $4  }
0x35b: {  	_ =	swait.ge [sflag:s21], $0xC000  }
0x35c: {  	[sflag:s21] =	ssyncset.done $0x0;
	s31 =	rddreg [dreg:$0xd]  }
0x35d: {  	s23 =	simm.s32 $0x4;
	s0 =	rddreg [dreg:$0xe];
	[sflag:s21] =	ssyncadd.s32 $0xFFFF4000  }
0x35e: {  	[hbm4b:s31+s2] =	stream.linear.scatter [tilespmem:s26], [sflag:$0x4], $0xC000, $0x38;
	[tilespmem:$0x18800] =	vst v63  }
.LBB2_5:
0x35f: {  	_ =	sfence.sel $0x180000  }
0x360: {  	[bflag:$0x0] =	sbarrier.arrive $0xFFFF  }
0x361: {  	_ =	strace $0x90000047  }
0x362: {  	s0 =	stileid.u32;
	[bflag:$0x2] =	sbarrier.arrive $0xFFFF  }
0x363: {  	p0 =	sne.s32 s0, $0x0;
	s0 =	rddreg [dreg:$0x2]  }
0x364: {  	s0 =	sadd.s32 @!p0 $0x100000, s0  }
0x365: {  	[sflag:s0] =	ssyncadd.tile.s32 @!p0 $0x1;
	_ =	shalt  }
.Lfunc_end2:
_tile_overlayer_lowered:
.L_overlay_start_2:
0x366: {  	(tag) =	ssettag $0x2  }
0x367: {  	s0 =	rddreg [dreg:$0x0];
	s2 =	stileid.u32  }
0x368: {  	s1 =	rddreg [dreg:$0x1];
	p0 =	sne.s32 s2, $0x0  }
0x369: {  	s3 =	rddreg [dreg:$0x2];
	[bflag:$0x3] =	sbarrier.arrive $0xFFFF;
	s2 =	simm.s32 @!p0 $0x1C05  }
0x36a: {  	[timem:s3], [sflag:s2] =	dma.local @!p0 [hbm:s0], s1  }
0x36b: {  	s0 =	simm.s32 @!p0 $0x5  }
0x36c: {  	_ =	swait.ge @!p0 [sflag:s0], s1  }
0x36d: {  	s1 =	ssub.s32 @!p0 $0x0, s1;
	[sflag:s0] =	ssyncset.done @!p0 $0x0  }
0x36e: {  	[sflag:s0] =	ssyncadd.s32 @!p0 s1  }
0x36f: {  	[bflag:$0x3] =	sbarrier.arrive $0xFFFF  }
0x370: {  	_ =	shalt  }

// kernel: sparse-core-data-format-call.cloned.1.call-start
scs
called_computation_lowered:
.L_overlay_start_0:
0x0: {  	s2 =	sld [smem:$0x3FD9]  }
0x1: {  	s3 =	sld [smem:$0x3FFE];
	_ =	sdelay $0x1  }
0x2: {  	s1 =	srdreg.scid  }
0x3: {  	s0 =	sand.u32 $0x1, s1  }
0x4: {  	s18 =	sshll.u32 s0, $0xA;
	s2 =	sadd.s32 s3, s2  }
0x5: {  	s2 =	sadd.s32 s2, s18  }
0x6: {  	[smem:$0x3FC7] =	sst s2  }
0x7: {  	_ = 	snop  }
0x8: {  	s2 =	sld [smem:$0x3FD0];
	(tm) =	ssettm $0x1  }
0x9: {  	s19 =	sld [smem:$0x3FFB];
	_ =	sdelay $0x3  }
0xa: {  	_ =	strace s19  }
0xb: {  	s3 =	sld [smem:$0x3FFC];
	_ =	sdelay $0x3  }
0xc: {  	_ =	strace s3  }
0xd: {  	s3 =	sld [smem:$0x3FFD];
	_ =	sdelay $0x3  }
0xe: {  	_ =	strace s3  }
0xf: {  	_ =	strace $0x8FFFFFFF  }
0x10: {  	s20 =	sld [smem:$0x3FDB];
	_ =	sdelay $0x1  }
0x11: {  	s4 =	simm.s32 $_scs_section_size  }
0x12: {  	s5 =	simm.s32 $_size__tile_overlayer_lowered;
	s6 =	simm.s32 $_tile_overlayer_lowered  }
0x13: {  	s23 =	simm.s32 $0x1BFF;
	s22 =	sshll.u32 s6, $0x1;
	s3 =	sadd.s32 s4, s20  }
0x14: {  	s7 =	simm.s32 $0x0;
	s21 =	sshll.u32 s5, $0x1;
	s5 =	sadd.s32 s22, s3  }
0x15: {  	[timem:s7], [sflag:s23] =	dma.local [hbm:s5], s21  }
0x16: {  	_ =	swait.ge [sflag:s23], s21  }
0x17: {  	s4 =	ssub.s32 $0x0, s21;
	[sflag:s23] =	ssyncset.done $0x0  }
0x18: {  	[sflag:s23] =	ssyncadd.s32 s4;
	_ =	sdelay $0x1  }
0x19: {  	s24 =	simm.s32 $0x1B8B  }
0x1a: {  	_ =	swait.ge [sflag:s24], $0x1  }
0x1b: {  	[sflag:s24] =	ssyncset.done $0x0  }
0x1c: {  	s26 =	simm.s32 $0x1B8E;
	s25 =	sld [smem:$0x3FFE];
	[sflag:s24] =	ssyncadd.s32 $0xFFFFFFFF  }
0x1d: {  	s27 =	simm.s32 $execute0_lowered;
	[smem:$0x3FD2] =	sst s26  }
0x1e: {  	s5 =	sshll.u32 s27, $0x1;
	_ =	strace $0x80000049;
	[dreg:$0x1] =	wrdreg $0xFFFFFFFF  }
0x1f: {  	s28 =	simm.s32 $_size_execute0_lowered;
	s3 =	sadd.s32 s3, s5;
	[dreg:$0x0] =	wrdreg $0x0  }
0x20: {  	s5 =	sshll.u32 s28, $0x1;
	[dreg:$0x2] =	wrdreg s3  }
0x21: {  	[dreg:$0x3] =	wrdreg s5  }
0x22: {  	[dreg:$0x4] =	wrdreg $0xC0  }
0x23: {  	_ =	task [dreg:s7], $0x5FFFF  }
0x24: {  	[dreg:$0x1] =	wrdreg $0xFFFFFFFF  }
0x25: {  	[dreg:$0x0] =	wrdreg $0x60  }
0x26: {  	[dreg:$0x2] =	wrdreg s25  }
0x27: {  	[dreg:$0x3] =	wrdreg s2  }
0x28: {  	[dreg:$0x4] =	wrdreg $0x9  }
0x29: {  	_ =	task.clear_ibuf [dreg:s7], $0x5FFFF;
	_ =	strace $0x90000049  }
0x2a: {  	s29 =	simm.s32 $0x9;
	_ =	strace $0x8000004B  }
0x2b: {  	_ =	swait.ge [sflag:s29], $0x1  }
0x2c: {  	[sflag:s29] =	ssyncadd.s32 $0xFFFFFFFF  }
0x2d: {  	_ =	strace $0x9000004B  }
0x2e: {  	_ =	sfence  }
0x2f: {  	s30 =	sld [smem:$0x0];
	_ =	sdelay $0x2  }
0x30: {  	s31 =	sshll.u32 s1, $0xD;
	s1 =	sshrl.u32 s1, $0x2  }
0x31: {  	s3 =	sand.u32 $0x4000, s31;
	s1 =	sadd.s32 s1, s30  }
0x32: {  	s0 =	sor.u32 s3, s0;
	s1 =	sshll.u32 s1, $0x11  }
0x33: {  	s0 =	sor.u32 s1, s0  }
0x34: {  	s0 =	sadd.s32 $0x8F2B, s0  }
0x35: {  	[sflag:s0] =	ssyncadd.remote.s32 $0x1  }
0x36: {  	_ =	sfence.sel $0xFFFF  }
0x37: {  	[dreg:$0x0] =	wrdreg $0xFFFFFFFF;
	(pc) =	sbr.abs _section_cstart, $3  }
0x38: {  	[dreg:$0x1] =	wrdreg $0xFFFFFFFF  }
0x39: {  	_ =	task.clear_ibuf [dreg:s7], $0x2FFFF;
	_ =	strace $0x9FFFFFFF  }
0x3a: {  	(tm) =	ssettm $0x7FFFFFFF  }
0x3b: {  	_ =	shalt  }
tec
execute0_lowered:
.L_overlay_start_1:
0x0: {  	(tag) =	ssettag $0x1  }
0x1: {  	s2 =	rddreg [dreg:$0x0]  }
0x2: {  	s0 =	srdreg.scid;
	s3 =	rddreg [dreg:$0x1];
	s5 =	simm.s32 $0x1  }
0x3: {  	s7 =	simm.s32 $0x2;
	s16 =	simm.s32 $0x0;
	s1 =	sshll.u32 s0, $0x4  }
0x4: {  	s18 =	simm.s32 $0x0;
	s0 =	stileid.u32;
	s1 =	sand.u32 $0x10, s1  }
0x5: {  	s17 =	simm.s32 $0x0;
	s9 =	simm.s32 $0x0;
	s1 =	sor.u32 s0, s1  }
0x6: {  	s10 =	simm.s32 $0x0;
	s12 =	simm.s32 $0x0;
	s4 =	sshll.u32 s1, $0x1  }
.Ltmp0:
0x7: {  	s11 =	simm.s32 $0x0;
	s6 =	ssub.s32 $0x120, s4;
	(pc) =	sbr.rel .LBB1_1-.Ltmp0, $4  }
0x8: {  	s1 =	rddreg [dreg:$0x2];
	_ =	strace $0x8000004A;
	s6 =	sshrl.u32 s6, $0x6  }
0x9: {  	s14 =	simm.s32 $0x0;
	[sflag:s5] =	ssyncpa.u1 $0x0;
	s8 =	smul.u32 $0x6, s6  }
0xa: {  	s15 =	simm.s32 $0x0;
	s13 =	smov.u32 s4;
	[sflag:s7] =	ssyncpa.u1 $0x0  }
0xb: {  	s6 =	sadd.s32 $0x6, s8;
	s7 =	sadd.s32 $0x7, s8;
	s8 =	simm.s32 $0x1800  }
.LBB1_7:
0xc: {  	p0 =	slt.u32 s15, $0x2  }
0xd: {  	p1 =	sgt.s32 @!p0 s18, $0x11F  }
0xe: {  	s19 =	smov.u32 s18;
	s20 =	sshra.s32 @!p0 s18, $0x1F;
	p1 =	por !p1, p0  }
0xf: {  	s18 =	sand.u32 @!p0 s20, s18;
	s19 =	simm.s32 @p1 $0x11F  }
0x10: {  	p2 =	sgt.s32 @!p0 s16, $0x280;
	s18 =	ssub.s32 @!p0 s19, s18  }
0x11: {  	p2 =	por !p2, p0;
	s20 =	sshra.s32 @!p0 s16, $0x1F;
	s19 =	sadd.s32 @!p0 $0xFFFFFEE1, s18  }
0x12: {  	s18 =	ssub.s32 @!p0 $0x121, s18;
	p1 =	sgt.s32 @!p0 s19, $0x1;
	s19 =	ssub.s32 @!p0 $0x0, s17  }
0x13: {  	p1 =	por !p1, p0;
	s17 =	smin.u32 @!p0 s17, s19;
	s19 =	smov.u32 s16  }
0x14: {  	s16 =	sand.u32 @!p0 s20, s16;
	s20 =	smov.u32 s13;
	s19 =	simm.s32 @p2 $0x280  }
0x15: {  	p2 =	sgt.s32 @!p0 s17, $0x3F;
	s17 =	ssub.s32 @!p0 $0x40, s17;
	s16 =	ssub.s32 @!p0 s19, s16  }
0x16: {  	s18 =	simm.s32 @!p1 $0x0;
	p2 =	por !p2, p0;
	s19 =	sadd.s32 @!p0 $0xFFFFFD80, s16  }
0x17: {  	s17 =	simm.s32 @!p2 $0x0;
	s16 =	ssub.s32 @!p0 $0x300, s16;
	p1 =	sgt.s32 @!p0 s19, $0x7F  }
0x18: {  	s17 =	smul.u32 @!p0 s17, s18;
	s19 =	sadd.s32 $0x80, s11;
	p1 =	por !p1, p0  }
0x19: {  	s18 =	sadd.s32 $0x40, s13;
	s16 =	simm.s32 @!p1 $0x0;
	p1 =	sgt.s32 s19, $0x2FF  }
0x1a: {  	s21 =	smov.u32 s14;
	s20 =	smov.u32 @p1 s18  }
0x1b: {  	s16 =	smul.u32 @!p0 s16, s17;
	s17 =	sadd.s32 $0x40, s14;
	p2 =	sgt.s32 s20, $0x120  }
0x1c: {  	s22 =	simm.s32 @!p0 $0x2;
	s21 =	smov.u32 @p2 s17  }
0x1d: {  	s19 =	simm.s32 @p1 $0x0;
	s18 =	smov.u32 s10;
	p1 =	sgt.s32 s21, $0x3F  }
0x1e: {  	s10 =	smov.u32 s13;
	s21 =	simm.s32 @p1 $0x0;
	p1 =	sne.s32 s15, s7  }
.Ltmp1:
0x1f: {  	s16 =	sand.u32 @!p0 $0x3FFFFFFF, s16;
	s20 =	smov.u32 @p2 s4;
	(pc) =	sbr.rel @!p1 .LBB1_8-.Ltmp1, $4  }
0x20: {  	s17 =	smov.u32 s12;
	s12 =	smov.u32 s14;
	_ =	swait.ge @!p0 [sflag:s22], s16  }
0x21: {  	s23 =	ssub.s32 @!p0 $0x0, s16;
	s16 =	smov.u32 s9;
	s9 =	smov.u32 s11  }
0x22: {  	s11 =	smov.u32 s19;
	s13 =	smov.u32 s20;
	[sflag:s22] =	ssyncset.done @!p0 $0x0  }
0x23: {  	s15 =	sadd.s32 $0x1, s15;
	[sflag:s22] =	ssyncadd.s32 @!p0 s23;
	s14 =	smov.u32 s21  }
.LBB1_1:
0x24: {  	p0 =	sge.u32 s15, s6  }
0x25: {  	s19 =	sshrl.u32 @!p0 s13, $0x3  }
0x26: {  	s20 =	sshll.u32 @!p0 s11, $0x3;
	s19 =	smul.u32 @!p0 $0x1800, s19  }
0x27: {  	s21 =	sshll.u32 @!p0 s13, $0x7;
	s20 =	sand.u32 @!p0 $0xFFFFFC00, s20  }
0x28: {  	s19 =	sadd.s32 @!p0 s19, s20;
	s20 =	sand.u32 @!p0 $0x380, s21  }
0x29: {  	s19 =	sor.u32 @!p0 s20, s19  }
0x2a: {  	s20 =	sand.u32 @!p0 $0x7F, s11;
	s21 =	smulhi.u32 @!p0 $0xAAAAAAAB, s19  }
0x2b: {  	s19 =	sor.u32 @!p0 s20, s19  }
0x2c: {  	s20 =	smulhi.u32 @!p0 $0xAAAAAAAB, s19;
	s21 =	sshrl.u32 @!p0 s21, $0x9  }
0x2d: {  	s22 =	smulhi.u32 @!p0 $0xDD67C9, s21;
	_ =	sdelay $0x1  }
0x2e: {  	s20 =	sshrl.u32 @!p0 s20, $0x9;
	s22 =	smul.u32 @!p0 $0x128, s22  }
0x2f: {  	s20 =	smul.u32 @!p0 $0x300, s20  }
0x30: {  	s23 =	sxor.u32 @!p0 $0xFFFFFFFF, s15;
	s21 =	ssub.s32 @!p0 s21, s22;
	s22 =	smul.u32 @!p0 $0x6F00, s14  }
0x31: {  	s23 =	sshll.u32 @!p0 s23, $0xE;
	s19 =	ssub.s32 @!p0 s19, s20;
	s20 =	smul.u32 @!p0 $0x60, s21  }
0x32: {  	s21 =	sand.u32 @!p0 $0x4000, s23;
	s23 =	sand.u32 @!p0 $0x7, s19;
	s22 =	sadd.s32 @!p0 s2, s22  }
0x33: {  	s19 =	sshrl.u32 @!p0 s19, $0x3;
	s20 =	sadd.s32 @!p0 s20, s22;
	s22 =	sshll.u32 @!p0 s23, $0x12  }
0x34: {  	s19 =	sadd.s32 @!p0 s19, s20;
	s20 =	sor.u32 @!p0 $0x100, s22;
	s22 =	simm.s32 @!p0 $0x37800  }
0x35: {  	[tilespmem:s21], [sflag:$0x1] =	stream.strided.gather @!p0 [hbm4b:s19+s20], $0x4000, s22, s20, $0x38;
	[tilespmem:$0x10000] =	vst v63  }
0x36: {  	p0 =	seq.s32 s15, $0x0  }
0x37: {  	p1 =	sge.u32 @!p0 s15, s7  }
0x38: {  	p0 =	por p0, p1  }
.Ltmp2:
0x39: {  	_ = 	snop;
	(pc) =	sbr.rel @p0 .LBB1_7-.Ltmp2, $1  }
0x3a: {  	_ =	sdelay $0x3  }
0x3b: {  	_ =	swait.ge [sflag:s5], $0x4000;
	s19 =	sshll.u32 s15, $0xE  }
0x3c: {  	[sflag:s5] =	ssyncset.done $0x0;
	s20 =	sand.u32 $0x4000, s19  }
0x3d: {  	s21 =	simm.s32 $0x0;
	[sflag:s5] =	ssyncadd.s32 $0xFFFFC000;
	s19 =	sor.u32 $0x8000, s20  }
.LBB1_3:
0x3e: {  	s22 =	sshll.u32 s21, $0x8  }
0x3f: {  	s22 =	sand.u32 $0x3FFFFF00, s22  }
0x40: {  	s23 =	sshll.u32 s21, $0x7;
	s22 =	sadd.s32 s22, s20  }
0x41: {  	s23 =	sand.u32 $0x3FFFFF80, s23;
	v0 =	vmov s22  }
0x42: {  	s23 =	sadd.s32 s23, s19  }
0x43: {  	p0 =	por $0x1, $0x1;
	v1 =	vmov s23;
	s22 =	simm.s32 $0x0  }
.LBB1_4:
0x44: {  	s23 =	sshll.u32 s22, $0x7  }
0x45: {  	s23 =	sand.u32 $0x3FFFFF80, s23  }
0x46: {  	v2 =	vld.idx.msk [tilespmem:v0+s23+$0x0 ss:$0x1], $0xffff  }
0x47: {  	v3 =	vld.idx.msk [tilespmem:v0+s23+$0x10 ss:$0x1], $0xffff  }
0x48: {  	v4 =	vld.idx.msk [tilespmem:v0+s23+$0x20 ss:$0x1], $0xffff  }
0x49: {  	s31 =	sshll.u32 s22, $0xD;
	v5 =	vld.idx.msk [tilespmem:v0+s23+$0x30 ss:$0x1], $0xffff  }
0x4a: {  	s22 =	sand.u32 $0x3FFFE000, s31;
	v6 =	vld.idx.msk [tilespmem:v0+s23+$0x40 ss:$0x1], $0xffff  }
0x4b: {  	v63 =	vld.idx.msk [tilespmem:v0+s23+$0x70 ss:$0x1], $0xffff;
	[tilespmem:v1+s22+$0x0 ss:$0x1] =	vst.idx.msk $0xffff, v2  }
0x4c: {  	v2 =	vld.idx.msk [tilespmem:v0+s23+$0x50 ss:$0x1], $0xffff;
	[tilespmem:v1+s22+$0x10 ss:$0x1] =	vst.idx.msk $0xffff, v3  }
0x4d: {  	p1 =	por p0, p0;
	v3 =	vld.idx.msk [tilespmem:v0+s23+$0x60 ss:$0x1], $0xffff;
	[tilespmem:v1+s22+$0x20 ss:$0x1] =	vst.idx.msk $0xffff, v4  }
.Ltmp3:
0x4e: {  	[tilespmem:v1+s22+$0x30 ss:$0x1] =	vst.idx.msk $0xffff, v5;
	(pc) =	sbr.rel @p1 .LBB1_4-.Ltmp3, $4  }
0x4f: {  	[tilespmem:v1+s22+$0x40 ss:$0x1] =	vst.idx.msk $0xffff, v6  }
0x50: {  	[tilespmem:v1+s22+$0x70 ss:$0x1] =	vst.idx.msk $0xffff, v63  }
0x51: {  	[tilespmem:v1+s22+$0x50 ss:$0x1] =	vst.idx.msk $0xffff, v2  }
0x52: {  	p0 =	por $0x0, $0x0;
	[tilespmem:v1+s22+$0x60 ss:$0x1] =	vst.idx.msk $0xffff, v3;
	s22 =	simm.s32 $0x1  }
0x53: {  	s21 =	sadd.s32 $0x1, s21  }
0x54: {  	p0 =	sne.s32 s21, $0x40  }
.Ltmp4:
0x55: {  	_ = 	snop;
	(pc) =	sbr.rel @p0 .LBB1_3-.Ltmp4, $1  }
0x56: {  	_ =	sdelay $0x3  }
0x57: {  	s20 =	sshrl.u32 s12, $0x3  }
0x58: {  	s21 =	sshll.u32 s9, $0x3;
	s22 =	sshll.u32 s12, $0x7;
	s23 =	sand.u32 $0x7F, s9  }
0x59: {  	p0 =	sgt.s32 s10, $0x11F;
	s25 =	sshra.s32 s10, $0x1F;
	s29 =	smul.u32 $0x1800, s10  }
0x5a: {  	s26 =	sshra.s32 s9, $0x1F;
	s27 =	ssub.s32 $0x0, s12;
	s20 =	smul.u32 $0x1800, s20  }
0x5b: {  	s21 =	sand.u32 $0xFFFFFC00, s21;
	s24 =	sand.u32 $0x380, s22;
	s22 =	sand.u32 s25, s10  }
0x5c: {  	s25 =	smov.u32 s9;
	s20 =	sadd.s32 s20, s21;
	s21 =	smov.u32 s10  }
0x5d: {  	s26 =	sand.u32 s26, s9;
	s20 =	sor.u32 s24, s20;
	s21 =	simm.s32 @!p0 $0x11F  }
0x5e: {  	p0 =	sgt.s32 s9, $0x280;
	s23 =	sor.u32 s23, s20;
	s21 =	ssub.s32 s21, s22  }
0x5f: {  	s25 =	simm.s32 @!p0 $0x280;
	s20 =	smulhi.u32 $0xAAAAAAAB, s20;
	s22 =	sadd.s32 $0xFFFFFEE1, s21  }
0x60: {  	s24 =	smulhi.u32 $0xAAAAAAAB, s23;
	s21 =	ssub.s32 $0x121, s21;
	p1 =	sgt.s32 s22, $0x1  }
0x61: {  	s22 =	ssub.s32 s25, s26;
	s25 =	smin.u32 s12, s27;
	s20 =	sshrl.u32 s20, $0x9  }
0x62: {  	s24 =	sshrl.u32 s24, $0x9;
	s21 =	simm.s32 @p1 $0x0;
	p0 =	sgt.s32 s25, $0x3F  }
0x63: {  	s25 =	ssub.s32 $0x40, s25;
	s20 =	sand.u32 $0x3F, s20;
	s24 =	smul.u32 $0x300, s24  }
0x64: {  	s28 =	sadd.s32 $0xFFFFFD80, s22;
	s25 =	simm.s32 @p0 $0x0;
	s20 =	smul.u32 $0x60, s20  }
0x65: {  	s22 =	ssub.s32 $0x300, s22;
	p0 =	sgt.s32 s28, $0x7F;
	s21 =	smul.u32 s25, s21  }
.Ltmp5:
0x66: {  	s22 =	simm.s32 @p0 $0x0;
	s23 =	ssub.s32 s23, s24;
	(pc) =	sbr.rel .LBB1_7-.Ltmp5, $4  }
0x67: {  	s30 =	sadd.s32 s3, s29;
	s21 =	smul.u32 s22, s21;
	s24 =	sand.u32 $0x7, s23  }
0x68: {  	s20 =	sadd.s32 s20, s30;
	s23 =	sshrl.u32 s23, $0x3;
	s31 =	sshll.u32 s24, $0x12  }
0x69: {  	s20 =	sadd.s32 s23, s20;
	s21 =	sand.u32 $0x3FFFFFFF, s21;
	s22 =	sor.u32 $0x400, s31  }
0x6a: {  	[hbm4b:s20+s22] =	stream.strided.scatter [tilespmem:s19], [sflag:$0x2], s21, s8, s22, $0x38;
	[tilespmem:$0x10000] =	vst v63  }
.LBB1_8:
0x6b: {  	_ =	sfence.sel $0x180000  }
0x6c: {  	s2 =	simm.s32 $0x1;
	[bflag:$0x0] =	sbarrier.arrive $0xFFFF  }
0x6d: {  	s31 =	simm.s32 $0x2;
	[sflag:s2] =	ssyncpa.u1 $0x1  }
0x6e: {  	[sflag:s31] =	ssyncpa.u1 $0x1  }
0x6f: {  	p0 =	sne.s32 s0, $0x0;
	_ =	strace $0x9000004A  }
0x70: {  	s0 =	sadd.s32 @!p0 $0x100000, s1;
	[bflag:$0x2] =	sbarrier.arrive $0xFFFF  }
0x71: {  	[sflag:s0] =	ssyncadd.tile.s32 @!p0 $0x1;
	_ =	shalt  }
.Lfunc_end1:
_tile_overlayer_lowered:
.L_overlay_start_2:
0x72: {  	(tag) =	ssettag $0x2  }
0x73: {  	s0 =	rddreg [dreg:$0x0];
	s2 =	stileid.u32  }
0x74: {  	s1 =	rddreg [dreg:$0x1];
	p0 =	sne.s32 s2, $0x0  }
0x75: {  	s3 =	rddreg [dreg:$0x2];
	[bflag:$0x3] =	sbarrier.arrive $0xFFFF;
	s2 =	simm.s32 @!p0 $0x1C01  }
0x76: {  	[timem:s3], [sflag:s2] =	dma.local @!p0 [hbm:s0], s1  }
0x77: {  	s0 =	simm.s32 @!p0 $0x1  }
0x78: {  	_ =	swait.ge @!p0 [sflag:s0], s1  }
0x79: {  	s1 =	ssub.s32 @!p0 $0x0, s1;
	[sflag:s0] =	ssyncset.done @!p0 $0x0  }
0x7a: {  	[sflag:s0] =	ssyncadd.s32 @!p0 s1  }
0x7b: {  	[bflag:$0x3] =	sbarrier.arrive $0xFFFF  }
0x7c: {  	_ =	shalt  }

</sc_bundles>
